<compile_context>
chip_gen: v7x
topology: tpu7x:2x2x1
jax: 0.10.2.dev20260603
libtpu: 0.0.44.dev20260713+nightly
codegen_flags: <defaults>
</compile_context>

<pallas_src>
import functools

import jax
import jax.numpy as jnp
from jax import lax
from jax.experimental import pallas as pl
from jax.experimental.pallas import tpu as pltpu
from jax.experimental.pallas import tpu_sc as plsc

_NW = 32
_CC = 14
_R = 112
_BN = 1000


def _argmin_ctable_body(p_ref, muT_ref, h_ref, rho_ref, w1_ref, b1_ref,
                        idx_ref, c_ref):
    i = pl.program_id(0)
    nsteps = 8

    @pl.when(i < nsteps)
    def _():
        _ctable_body(h_ref, rho_ref, w1_ref, b1_ref, c_ref)

    _argmin_body(p_ref, muT_ref, idx_ref)


def _argmin_body(p_ref, muT_ref, idx_ref):
    p = p_ref[...]
    muT = muT_ref[...]
    k = muT.shape[1]
    m2 = jnp.sum(muT * muT, axis=0, keepdims=True)
    p2 = jnp.sum(p * p, axis=1, keepdims=True)
    dotn = jnp.dot(p, -2.0 * muT, preferred_element_type=jnp.float32)
    d2 = jnp.maximum((p2 + m2) + dotn, 0.0)
    mind = jnp.min(d2, axis=1, keepdims=True)
    ids = lax.broadcasted_iota(jnp.int32, d2.shape, 1)
    idx = jnp.min(jnp.where(d2 == mind, ids, k), axis=1, keepdims=True)
    idx_ref[...] = jnp.minimum(idx, k - 1).astype(jnp.int32)


def _ctable_body(h_ref, rho_ref, w1_ref, b1_ref, c_ref):
    gdim = w1_ref.shape[0] - h_ref.shape[1] - 1
    w1h = w1_ref[gdim + 1:, :]
    wrho = w1_ref[gdim:gdim + 1, :]
    c_ref[...] = (
        jnp.dot(h_ref[...], w1h, preferred_element_type=jnp.float32)
        + rho_ref[...] * wrho
        + b1_ref[...]
    )


def _mlp_body(g_ref, s_ref, w1_ref, w2_ref, b2_ref, a_ref):
    gdim = g_ref.shape[1]
    w1g = w1_ref[:gdim, :]
    z = jnp.dot(g_ref[...], w1g, preferred_element_type=jnp.float32)
    h = jnp.maximum(z + s_ref[...], 0.0)
    a = jnp.dot(h, w2_ref[...], preferred_element_type=jnp.float32)
    a_ref[...] = a + b2_ref[...]


def _make_gather(n, feat):
    per_w = _CC * _R
    tail = n - 31 * per_w - 12 * _R
    mesh = plsc.VectorSubcoreMesh(core_axis_name="c", subcore_axis_name="s")

    @functools.partial(
        pl.kernel,
        mesh=mesh,
        out_type=jax.ShapeDtypeStruct((n, feat), jnp.float32),
        scratch_types=[
            pltpu.VMEM((per_w,), jnp.int32),
            pltpu.VMEM((2, _R, feat), jnp.float32),
            pltpu.SemaphoreType.DMA,
            pltpu.SemaphoreType.DMA,
        ],
    )
    def gather_k(c_hbm, idx_hbm, out_hbm, idx_v, rows_v, sem0, sem1):
        cid = lax.axis_index("c")
        sid = lax.axis_index("s")
        wid = sid * 2 + cid
        base = wid * per_w
        last = wid == _NW - 1
        sems = (sem0, sem1)

        @pl.when(jnp.logical_not(last))
        def _():
            pltpu.sync_copy(idx_hbm.at[pl.ds(base, per_w)], idx_v)

        @pl.when(last)
        def _():
            pltpu.sync_copy(idx_hbm.at[pl.ds(base, 12 * _R + tail)],
                            idx_v.at[pl.ds(0, 12 * _R + tail)])

        def start(c):
            buf = rows_v.at[c % 2]
            cp = {}
            if c < 12:
                cp["full"] = pltpu.async_copy(
                    c_hbm.at[idx_v.at[pl.ds(c * _R, _R)]], buf, sems[c % 2])
                return cp

            @pl.when(jnp.logical_not(last))
            def _():
                cp["full"] = pltpu.async_copy(
                    c_hbm.at[idx_v.at[pl.ds(c * _R, _R)]], buf, sems[c % 2])

            if c == 12:
                @pl.when(last)
                def _():
                    cp["tail"] = pltpu.async_copy(
                        c_hbm.at[idx_v.at[pl.ds(12 * _R, tail)]],
                        buf.at[pl.ds(0, tail)], sems[c % 2])
            return cp

        def drain(c, cp):
            buf = rows_v.at[c % 2]
            if c < 12:
                cp["full"].wait()
                pltpu.sync_copy(buf, out_hbm.at[pl.ds(base + c * _R, _R)])
                return

            @pl.when(jnp.logical_not(last))
            def _():
                cp["full"].wait()
                pltpu.sync_copy(buf, out_hbm.at[pl.ds(base + c * _R, _R)])

            if c == 12:
                @pl.when(last)
                def _():
                    cp["tail"].wait()
                    pltpu.sync_copy(buf.at[pl.ds(0, tail)],
                                    out_hbm.at[pl.ds(base + 12 * _R, tail)])

        cps = {0: start(0)}
        for c in range(_CC):
            if c + 1 < _CC:
                cps[c + 1] = start(c + 1)
            drain(c, cps[c])

    return gather_k


def kernel(p, mu_k, rho_k, h_k, g_i, W1, b1, W2, b2):
    n = p.shape[0]
    k = mu_k.shape[0]
    f = h_k.shape[1]
    gdim = g_i.shape[1]
    nb = n // _BN

    muT = mu_k.T
    bk = 512
    nsteps = k // bk
    cmap = lambda i: (jnp.minimum(i, nsteps - 1), 0)
    idx, ctab = pl.pallas_call(
        _argmin_ctable_body,
        grid=(nb,),
        in_specs=[
            pl.BlockSpec((_BN, 3), lambda i: (i, 0)),
            pl.BlockSpec((3, k), lambda i: (0, 0)),
            pl.BlockSpec((bk, f), cmap),
            pl.BlockSpec((bk, 1), cmap),
            pl.BlockSpec(W1.shape, lambda i: (0, 0)),
            pl.BlockSpec((1, f), lambda i: (0, 0)),
        ],
        out_specs=[
            pl.BlockSpec((_BN, 1), lambda i: (i, 0)),
            pl.BlockSpec((bk, f), cmap),
        ],
        out_shape=[
            jax.ShapeDtypeStruct((n, 1), jnp.int32),
            jax.ShapeDtypeStruct((k, f), jnp.float32),
        ],
    )(p, muT, h_k, rho_k.reshape(k, 1), W1, b1.reshape(1, f))

    s = _make_gather(n, f)(ctab, idx.reshape(n))

    a2 = pl.pallas_call(
        _mlp_body,
        grid=(nb,),
        in_specs=[
            pl.BlockSpec((_BN, gdim), lambda i: (i, 0)),
            pl.BlockSpec((_BN, f), lambda i: (i, 0)),
            pl.BlockSpec(W1.shape, lambda i: (0, 0)),
            pl.BlockSpec((f, 1), lambda i: (0, 0)),
            pl.BlockSpec((1, 1), lambda i: (0, 0)),
        ],
        out_specs=pl.BlockSpec((_BN, 1), lambda i: (i, 0)),
        out_shape=jax.ShapeDtypeStruct((n, 1), jnp.float32),
    )(g_i, s, W1, W2, b2.reshape(1, 1))

    return a2[:, 0]

# --- scband reference (transcript-rebuilt; emitter-appended) ---
"""Pipeline reference for scband-point-scoring-head-28759101014142 (READ-ONLY COPY).

The authoritative reference and input builder live on the scoring server;
editing this copy changes nothing except your own understanding.
"""

import jax, jax.numpy as jnp
import numpy as np


def setup_inputs(seed: int = 0) -> dict:
    key = jax.random.key(seed)
    ks = jax.random.split(key, 8)
    N, K, F = 50000, 4096, 128
    p = jax.random.normal(ks[0], (N, 3), dtype=jnp.float32)
    mu_k = jax.random.normal(ks[1], (K, 3), dtype=jnp.float32)
    rho_k = jax.random.normal(ks[2], (K,), dtype=jnp.float32)
    h_k = jax.random.normal(ks[3], (K, F), dtype=jnp.float32)
    g_i = jax.random.normal(ks[4], (N, F + 3), dtype=jnp.float32)
    d_in = F + 4 + F  # 260
    W1 = jax.random.normal(ks[5], (d_in, 128), dtype=jnp.float32) * (1.0 / np.sqrt(d_in))
    b1 = jnp.zeros((128,), dtype=jnp.float32)
    W2 = jax.random.normal(ks[6], (128, 1), dtype=jnp.float32) * (1.0 / np.sqrt(128))
    b2 = jnp.zeros((1,), dtype=jnp.float32)
    return {"p": p, "mu_k": mu_k, "rho_k": rho_k, "h_k": h_k, "g_i": g_i,
            "W1": W1, "b1": b1, "W2": W2, "b2": b2}


def reference(p, mu_k, rho_k, h_k, g_i, W1, b1, W2, b2):
    # torch.cdist(p, mu_k): euclidean distances [N, K]
    p2 = jnp.sum(p * p, axis=1)
    m2 = jnp.sum(mu_k * mu_k, axis=1)
    d2 = p2[:, None] + m2[None, :] - 2.0 * (p @ mu_k.T)
    dists = jnp.sqrt(jnp.maximum(d2, 0.0))
    # dists.min(dim=1) -> (min_d, idx); only idx is consumed downstream
    idx = jnp.argmin(dists, axis=1)
    h_k_sel = jnp.take(h_k, idx, axis=0)
    rho_sel = jnp.take(rho_k, idx, axis=0)[:, None]
    inp = jnp.concatenate([g_i, rho_sel, h_k_sel], axis=-1)
    h = jax.nn.relu(inp @ W1 + b1)
    a = (h @ W2 + b2)[:, 0]
    return a

if __name__ == "__main__":
    import jax
    _d = setup_inputs()
    print(jax.jit(kernel)(*tuple(_d.values())))

</pallas_src>

<mosaic_0001>
#map = affine_map<(d0, d1) -> (0, 0)>
#map1 = affine_map<(d0, d1) -> (0)>
module attributes {stable_mosaic.version = 14 : i64} {
  func.func @gather_k(%arg0: i32, %arg1: i32, %arg2: memref<4096x128xf32, #tpu.memory_space<hbm>>, %arg3: memref<50000xi32, #tpu.memory_space<hbm>>, %arg4: memref<50000x128xf32, #tpu.memory_space<hbm>>, %arg5: memref<1568xi32, #tpu.memory_space<vmem>>, %arg6: memref<2x112x128xf32, #tpu.memory_space<vmem>>, %arg7: memref<!tpu.dma_semaphore, #tpu.memory_space<semaphore_mem>>, %arg8: memref<!tpu.dma_semaphore, #tpu.memory_space<semaphore_mem>>) attributes {dimension_semantics = [#tpu.dimension_semantics<core_parallel>, #tpu.dimension_semantics<subcore_parallel>], iteration_bounds = array<i64: 2, 16>, scalar_prefetch = 0 : i64, scratch_operands = 4 : i64, tpu.core_type = #tpu.core_type<sc_vector_subcore>, window_params = [{transform_indices = #map}, {transform_indices = #map1}, {transform_indices = #map}]} {
    %mul3A = arith.constant 2 : i32
    %mul3A_0 = arith.muli %arg1, %mul3A : i32
    %add3A = arith.addi %mul3A_0, %arg0 : i32
    %mul3A_1 = arith.constant 1568 : i32
    %mul3A_2 = arith.muli %add3A, %mul3A_1 : i32
    %eq3A = arith.constant 31 : i32
    %eq3A_3 = arith.cmpi eq, %add3A, %eq3A : i32
    %not3A = arith.constant true
    %not3A_4 = arith.xori %eq3A_3, %not3A : i1
    %convert_element_type3A = arith.extui %not3A_4 : i1 to i32
    %cond3A = arith.constant 0 : i32
    %cond3A_5 = arith.cmpi ne, %convert_element_type3A, %cond3A : i32
    scf.if %cond3A_5 {
      "tpu.region"() ({
        %run_scoped3A_317 = tpu.sem_alloc : memref<!tpu.dma_semaphore, #tpu.memory_space<semaphore_mem>>
        %dma_start3A_318 = tpu.memref_slice %arg3[%mul3A_2] : memref<50000xi32, #tpu.memory_space<hbm>> -> memref<1568xi32, #tpu.memory_space<hbm>>
        %dma_start3A_319 = tpu.memref_slice %arg3[%mul3A_2] : memref<50000xi32, #tpu.memory_space<hbm>> -> memref<1568xi32, #tpu.memory_space<hbm>>
        tpu.enqueue_dma source(%dma_start3A_319 : memref<1568xi32, #tpu.memory_space<hbm>>) target(%arg5 : memref<1568xi32, #tpu.memory_space<vmem>>) target_semaphore(%run_scoped3A_317 : memref<!tpu.dma_semaphore, #tpu.memory_space<semaphore_mem>>)
        %dma_wait3A_320 = tpu.memref_slice %arg3[%mul3A_2] : memref<50000xi32, #tpu.memory_space<hbm>> -> memref<1568xi32, #tpu.memory_space<hbm>>
        %dma_wait3A_321 = tpu.memref_slice %arg3[%mul3A_2] : memref<50000xi32, #tpu.memory_space<hbm>> -> memref<1568xi32, #tpu.memory_space<hbm>>
        tpu.wait_dma2 semaphore(%run_scoped3A_317 : memref<!tpu.dma_semaphore, #tpu.memory_space<semaphore_mem>>) src(%dma_wait3A_321 : memref<1568xi32, #tpu.memory_space<hbm>>) dst(%arg5 : memref<1568xi32, #tpu.memory_space<vmem>>)
        tpu.yield
      }) : () -> ()
    } else {
    }
    %convert_element_type3A_6 = arith.extui %eq3A_3 : i1 to i32
    %cond3A_7 = arith.constant 0 : i32
    %cond3A_8 = arith.cmpi ne, %convert_element_type3A_6, %cond3A_7 : i32
    scf.if %cond3A_8 {
      "tpu.region"() ({
        %run_scoped3A_317 = tpu.sem_alloc : memref<!tpu.dma_semaphore, #tpu.memory_space<semaphore_mem>>
        %dma_start3A_318 = arith.constant 0 : i32
        %dma_start3A_319 = tpu.memref_slice %arg5[%dma_start3A_318] : memref<1568xi32, #tpu.memory_space<vmem>> -> memref<1392xi32, #tpu.memory_space<vmem>>
        %dma_start3A_320 = tpu.memref_slice %arg3[%mul3A_2] : memref<50000xi32, #tpu.memory_space<hbm>> -> memref<1392xi32, #tpu.memory_space<hbm>>
        %dma_start3A_321 = arith.constant 0 : i32
        %dma_start3A_322 = tpu.memref_slice %arg5[%dma_start3A_321] : memref<1568xi32, #tpu.memory_space<vmem>> -> memref<1392xi32, #tpu.memory_space<vmem>>
        %dma_start3A_323 = tpu.memref_slice %arg3[%mul3A_2] : memref<50000xi32, #tpu.memory_space<hbm>> -> memref<1392xi32, #tpu.memory_space<hbm>>
        tpu.enqueue_dma source(%dma_start3A_323 : memref<1392xi32, #tpu.memory_space<hbm>>) target(%dma_start3A_322 : memref<1392xi32, #tpu.memory_space<vmem>>) target_semaphore(%run_scoped3A_317 : memref<!tpu.dma_semaphore, #tpu.memory_space<semaphore_mem>>)
        %dma_wait3A_324 = arith.constant 0 : i32
        %dma_wait3A_325 = tpu.memref_slice %arg5[%dma_wait3A_324] : memref<1568xi32, #tpu.memory_space<vmem>> -> memref<1392xi32, #tpu.memory_space<vmem>>
        %dma_wait3A_326 = tpu.memref_slice %arg3[%mul3A_2] : memref<50000xi32, #tpu.memory_space<hbm>> -> memref<1392xi32, #tpu.memory_space<hbm>>
        %dma_wait3A_327 = arith.constant 0 : i32
        %dma_wait3A_328 = tpu.memref_slice %arg5[%dma_wait3A_327] : memref<1568xi32, #tpu.memory_space<vmem>> -> memref<1392xi32, #tpu.memory_space<vmem>>
        %dma_wait3A_329 = tpu.memref_slice %arg3[%mul3A_2] : memref<50000xi32, #tpu.memory_space<hbm>> -> memref<1392xi32, #tpu.memory_space<hbm>>
        tpu.wait_dma2 semaphore(%run_scoped3A_317 : memref<!tpu.dma_semaphore, #tpu.memory_space<semaphore_mem>>) src(%dma_wait3A_329 : memref<1392xi32, #tpu.memory_space<hbm>>) dst(%dma_wait3A_328 : memref<1392xi32, #tpu.memory_space<vmem>>)
        tpu.yield
      }) : () -> ()
    } else {
    }
    %dma_start3A = arith.constant 0 : i32
    %dma_start3A_9 = arith.constant 0 : i32
    %dma_start3A_10 = arith.constant 0 : i32
    %dma_start3A_11 = tpu.memref_slice %arg6[%dma_start3A, %dma_start3A_9, %dma_start3A_10] : memref<2x112x128xf32, #tpu.memory_space<vmem>> -> memref<1x112x128xf32, #tpu.memory_space<vmem>>
    %dma_start3A_12 = tpu.memref_squeeze %dma_start3A_11 : memref<1x112x128xf32, #tpu.memory_space<vmem>> -> memref<112x128xf32, #tpu.memory_space<vmem>>
    %dma_start3A_13 = arith.constant 0 : i32
    %dma_start3A_14 = tpu.memref_slice %arg5[%dma_start3A_13] : memref<1568xi32, #tpu.memory_space<vmem>> -> memref<112xi32, #tpu.memory_space<vmem>>
    %dma_start3A_15 = arith.constant 0 : i32
    %dma_start3A_16 = arith.constant 0 : i32
    %dma_start3A_17 = tpu.memref_slice %arg2[%dma_start3A_15, %dma_start3A_16] : memref<4096x128xf32, #tpu.memory_space<hbm>> -> memref<4096x128xf32, #tpu.memory_space<hbm>>
    tpu.enqueue_indirect_dma source(%dma_start3A_17 : memref<4096x128xf32, #tpu.memory_space<hbm>>) target(%dma_start3A_12 : memref<112x128xf32, #tpu.memory_space<vmem>>) offsets(%dma_start3A_14 : memref<112xi32, #tpu.memory_space<vmem>>) semaphore(%arg7 : memref<!tpu.dma_semaphore, #tpu.memory_space<semaphore_mem>>)
    %dma_start3A_18 = arith.constant 1 : i32
    %dma_start3A_19 = arith.constant 0 : i32
    %dma_start3A_20 = arith.constant 0 : i32
    %dma_start3A_21 = tpu.memref_slice %arg6[%dma_start3A_18, %dma_start3A_19, %dma_start3A_20] : memref<2x112x128xf32, #tpu.memory_space<vmem>> -> memref<1x112x128xf32, #tpu.memory_space<vmem>>
    %dma_start3A_22 = tpu.memref_squeeze %dma_start3A_21 : memref<1x112x128xf32, #tpu.memory_space<vmem>> -> memref<112x128xf32, #tpu.memory_space<vmem>>
    %dma_start3A_23 = arith.constant 112 : i32
    %dma_start3A_24 = tpu.memref_slice %arg5[%dma_start3A_23] : memref<1568xi32, #tpu.memory_space<vmem>> -> memref<112xi32, #tpu.memory_space<vmem>>
    %dma_start3A_25 = arith.constant 0 : i32
    %dma_start3A_26 = arith.constant 0 : i32
    %dma_start3A_27 = tpu.memref_slice %arg2[%dma_start3A_25, %dma_start3A_26] : memref<4096x128xf32, #tpu.memory_space<hbm>> -> memref<4096x128xf32, #tpu.memory_space<hbm>>
    tpu.enqueue_indirect_dma source(%dma_start3A_27 : memref<4096x128xf32, #tpu.memory_space<hbm>>) target(%dma_start3A_22 : memref<112x128xf32, #tpu.memory_space<vmem>>) offsets(%dma_start3A_24 : memref<112xi32, #tpu.memory_space<vmem>>) semaphore(%arg8 : memref<!tpu.dma_semaphore, #tpu.memory_space<semaphore_mem>>)
    %dma_wait3A = arith.constant 0 : i32
    %dma_wait3A_28 = arith.constant 0 : i32
    %dma_wait3A_29 = arith.constant 0 : i32
    %dma_wait3A_30 = tpu.memref_slice %arg6[%dma_wait3A, %dma_wait3A_28, %dma_wait3A_29] : memref<2x112x128xf32, #tpu.memory_space<vmem>> -> memref<1x112x128xf32, #tpu.memory_space<vmem>>
    %dma_wait3A_31 = tpu.memref_squeeze %dma_wait3A_30 : memref<1x112x128xf32, #tpu.memory_space<vmem>> -> memref<112x128xf32, #tpu.memory_space<vmem>>
    %dma_wait3A_32 = arith.constant 0 : i32
    %dma_wait3A_33 = tpu.memref_slice %arg5[%dma_wait3A_32] : memref<1568xi32, #tpu.memory_space<vmem>> -> memref<112xi32, #tpu.memory_space<vmem>>
    %dma_wait3A_34 = arith.constant 0 : i32
    %dma_wait3A_35 = arith.constant 0 : i32
    %dma_wait3A_36 = tpu.memref_slice %arg2[%dma_wait3A_34, %dma_wait3A_35] : memref<4096x128xf32, #tpu.memory_space<hbm>> -> memref<4096x128xf32, #tpu.memory_space<hbm>>
    tpu.wait_indirect_dma semaphore(%arg7 : memref<!tpu.dma_semaphore, #tpu.memory_space<semaphore_mem>>) src(%dma_wait3A_36 : memref<4096x128xf32, #tpu.memory_space<hbm>>) dst(%dma_wait3A_31 : memref<112x128xf32, #tpu.memory_space<vmem>>)
    %add3A_37 = arith.constant 0 : i32
    %add3A_38 = arith.addi %mul3A_2, %add3A_37 : i32
    %run_scoped3A = arith.constant 0 : i32
    "tpu.region"() ({
      %run_scoped3A_317 = tpu.sem_alloc : memref<!tpu.dma_semaphore, #tpu.memory_space<semaphore_mem>>
      %dma_start3A_318 = arith.constant 0 : i32
      %dma_start3A_319 = arith.constant 0 : i32
      %dma_start3A_320 = tpu.memref_slice %arg6[%run_scoped3A, %dma_start3A_318, %dma_start3A_319] : memref<2x112x128xf32, #tpu.memory_space<vmem>> -> memref<1x112x128xf32, #tpu.memory_space<vmem>>
      %dma_start3A_321 = tpu.memref_squeeze %dma_start3A_320 : memref<1x112x128xf32, #tpu.memory_space<vmem>> -> memref<112x128xf32, #tpu.memory_space<vmem>>
      %dma_start3A_322 = arith.constant 0 : i32
      %dma_start3A_323 = tpu.memref_slice %arg4[%add3A_38, %dma_start3A_322] : memref<50000x128xf32, #tpu.memory_space<hbm>> -> memref<112x128xf32, #tpu.memory_space<hbm>>
      %dma_start3A_324 = arith.constant 0 : i32
      %dma_start3A_325 = tpu.memref_slice %arg4[%add3A_38, %dma_start3A_324] : memref<50000x128xf32, #tpu.memory_space<hbm>> -> memref<112x128xf32, #tpu.memory_space<hbm>>
      %dma_start3A_326 = arith.constant 0 : i32
      %dma_start3A_327 = arith.constant 0 : i32
      %dma_start3A_328 = tpu.memref_slice %arg6[%run_scoped3A, %dma_start3A_326, %dma_start3A_327] : memref<2x112x128xf32, #tpu.memory_space<vmem>> -> memref<1x112x128xf32, #tpu.memory_space<vmem>>
      %dma_start3A_329 = tpu.memref_squeeze %dma_start3A_328 : memref<1x112x128xf32, #tpu.memory_space<vmem>> -> memref<112x128xf32, #tpu.memory_space<vmem>>
      tpu.enqueue_dma source(%dma_start3A_329 : memref<112x128xf32, #tpu.memory_space<vmem>>) target(%dma_start3A_325 : memref<112x128xf32, #tpu.memory_space<hbm>>) target_semaphore(%run_scoped3A_317 : memref<!tpu.dma_semaphore, #tpu.memory_space<semaphore_mem>>)
      %dma_wait3A_330 = arith.constant 0 : i32
      %dma_wait3A_331 = arith.constant 0 : i32
      %dma_wait3A_332 = tpu.memref_slice %arg6[%run_scoped3A, %dma_wait3A_330, %dma_wait3A_331] : memref<2x112x128xf32, #tpu.memory_space<vmem>> -> memref<1x112x128xf32, #tpu.memory_space<vmem>>
      %dma_wait3A_333 = tpu.memref_squeeze %dma_wait3A_332 : memref<1x112x128xf32, #tpu.memory_space<vmem>> -> memref<112x128xf32, #tpu.memory_space<vmem>>
      %dma_wait3A_334 = arith.constant 0 : i32
      %dma_wait3A_335 = tpu.memref_slice %arg4[%add3A_38, %dma_wait3A_334] : memref<50000x128xf32, #tpu.memory_space<hbm>> -> memref<112x128xf32, #tpu.memory_space<hbm>>
      %dma_wait3A_336 = arith.constant 0 : i32
      %dma_wait3A_337 = tpu.memref_slice %arg4[%add3A_38, %dma_wait3A_336] : memref<50000x128xf32, #tpu.memory_space<hbm>> -> memref<112x128xf32, #tpu.memory_space<hbm>>
      %dma_wait3A_338 = arith.constant 0 : i32
      %dma_wait3A_339 = arith.constant 0 : i32
      %dma_wait3A_340 = tpu.memref_slice %arg6[%run_scoped3A, %dma_wait3A_338, %dma_wait3A_339] : memref<2x112x128xf32, #tpu.memory_space<vmem>> -> memref<1x112x128xf32, #tpu.memory_space<vmem>>
      %dma_wait3A_341 = tpu.memref_squeeze %dma_wait3A_340 : memref<1x112x128xf32, #tpu.memory_space<vmem>> -> memref<112x128xf32, #tpu.memory_space<vmem>>
      tpu.wait_dma2 semaphore(%run_scoped3A_317 : memref<!tpu.dma_semaphore, #tpu.memory_space<semaphore_mem>>) src(%dma_wait3A_341 : memref<112x128xf32, #tpu.memory_space<vmem>>) dst(%dma_wait3A_337 : memref<112x128xf32, #tpu.memory_space<hbm>>)
      tpu.yield
    }) : () -> ()
    %dma_start3A_39 = arith.constant 0 : i32
    %dma_start3A_40 = arith.constant 0 : i32
    %dma_start3A_41 = arith.constant 0 : i32
    %dma_start3A_42 = tpu.memref_slice %arg6[%dma_start3A_39, %dma_start3A_40, %dma_start3A_41] : memref<2x112x128xf32, #tpu.memory_space<vmem>> -> memref<1x112x128xf32, #tpu.memory_space<vmem>>
    %dma_start3A_43 = tpu.memref_squeeze %dma_start3A_42 : memref<1x112x128xf32, #tpu.memory_space<vmem>> -> memref<112x128xf32, #tpu.memory_space<vmem>>
    %dma_start3A_44 = arith.constant 224 : i32
    %dma_start3A_45 = tpu.memref_slice %arg5[%dma_start3A_44] : memref<1568xi32, #tpu.memory_space<vmem>> -> memref<112xi32, #tpu.memory_space<vmem>>
    %dma_start3A_46 = arith.constant 0 : i32
    %dma_start3A_47 = arith.constant 0 : i32
    %dma_start3A_48 = tpu.memref_slice %arg2[%dma_start3A_46, %dma_start3A_47] : memref<4096x128xf32, #tpu.memory_space<hbm>> -> memref<4096x128xf32, #tpu.memory_space<hbm>>
    tpu.enqueue_indirect_dma source(%dma_start3A_48 : memref<4096x128xf32, #tpu.memory_space<hbm>>) target(%dma_start3A_43 : memref<112x128xf32, #tpu.memory_space<vmem>>) offsets(%dma_start3A_45 : memref<112xi32, #tpu.memory_space<vmem>>) semaphore(%arg7 : memref<!tpu.dma_semaphore, #tpu.memory_space<semaphore_mem>>)
    %dma_wait3A_49 = arith.constant 1 : i32
    %dma_wait3A_50 = arith.constant 0 : i32
    %dma_wait3A_51 = arith.constant 0 : i32
    %dma_wait3A_52 = tpu.memref_slice %arg6[%dma_wait3A_49, %dma_wait3A_50, %dma_wait3A_51] : memref<2x112x128xf32, #tpu.memory_space<vmem>> -> memref<1x112x128xf32, #tpu.memory_space<vmem>>
    %dma_wait3A_53 = tpu.memref_squeeze %dma_wait3A_52 : memref<1x112x128xf32, #tpu.memory_space<vmem>> -> memref<112x128xf32, #tpu.memory_space<vmem>>
    %dma_wait3A_54 = arith.constant 112 : i32
    %dma_wait3A_55 = tpu.memref_slice %arg5[%dma_wait3A_54] : memref<1568xi32, #tpu.memory_space<vmem>> -> memref<112xi32, #tpu.memory_space<vmem>>
    %dma_wait3A_56 = arith.constant 0 : i32
    %dma_wait3A_57 = arith.constant 0 : i32
    %dma_wait3A_58 = tpu.memref_slice %arg2[%dma_wait3A_56, %dma_wait3A_57] : memref<4096x128xf32, #tpu.memory_space<hbm>> -> memref<4096x128xf32, #tpu.memory_space<hbm>>
    tpu.wait_indirect_dma semaphore(%arg8 : memref<!tpu.dma_semaphore, #tpu.memory_space<semaphore_mem>>) src(%dma_wait3A_58 : memref<4096x128xf32, #tpu.memory_space<hbm>>) dst(%dma_wait3A_53 : memref<112x128xf32, #tpu.memory_space<vmem>>)
    %add3A_59 = arith.constant 112 : i32
    %add3A_60 = arith.addi %mul3A_2, %add3A_59 : i32
    %run_scoped3A_61 = arith.constant 1 : i32
    "tpu.region"() ({
      %run_scoped3A_317 = tpu.sem_alloc : memref<!tpu.dma_semaphore, #tpu.memory_space<semaphore_mem>>
      %dma_start3A_318 = arith.constant 0 : i32
      %dma_start3A_319 = arith.constant 0 : i32
      %dma_start3A_320 = tpu.memref_slice %arg6[%run_scoped3A_61, %dma_start3A_318, %dma_start3A_319] : memref<2x112x128xf32, #tpu.memory_space<vmem>> -> memref<1x112x128xf32, #tpu.memory_space<vmem>>
      %dma_start3A_321 = tpu.memref_squeeze %dma_start3A_320 : memref<1x112x128xf32, #tpu.memory_space<vmem>> -> memref<112x128xf32, #tpu.memory_space<vmem>>
      %dma_start3A_322 = arith.constant 0 : i32
      %dma_start3A_323 = tpu.memref_slice %arg4[%add3A_60, %dma_start3A_322] : memref<50000x128xf32, #tpu.memory_space<hbm>> -> memref<112x128xf32, #tpu.memory_space<hbm>>
      %dma_start3A_324 = arith.constant 0 : i32
      %dma_start3A_325 = tpu.memref_slice %arg4[%add3A_60, %dma_start3A_324] : memref<50000x128xf32, #tpu.memory_space<hbm>> -> memref<112x128xf32, #tpu.memory_space<hbm>>
      %dma_start3A_326 = arith.constant 0 : i32
      %dma_start3A_327 = arith.constant 0 : i32
      %dma_start3A_328 = tpu.memref_slice %arg6[%run_scoped3A_61, %dma_start3A_326, %dma_start3A_327] : memref<2x112x128xf32, #tpu.memory_space<vmem>> -> memref<1x112x128xf32, #tpu.memory_space<vmem>>
      %dma_start3A_329 = tpu.memref_squeeze %dma_start3A_328 : memref<1x112x128xf32, #tpu.memory_space<vmem>> -> memref<112x128xf32, #tpu.memory_space<vmem>>
      tpu.enqueue_dma source(%dma_start3A_329 : memref<112x128xf32, #tpu.memory_space<vmem>>) target(%dma_start3A_325 : memref<112x128xf32, #tpu.memory_space<hbm>>) target_semaphore(%run_scoped3A_317 : memref<!tpu.dma_semaphore, #tpu.memory_space<semaphore_mem>>)
      %dma_wait3A_330 = arith.constant 0 : i32
      %dma_wait3A_331 = arith.constant 0 : i32
      %dma_wait3A_332 = tpu.memref_slice %arg6[%run_scoped3A_61, %dma_wait3A_330, %dma_wait3A_331] : memref<2x112x128xf32, #tpu.memory_space<vmem>> -> memref<1x112x128xf32, #tpu.memory_space<vmem>>
      %dma_wait3A_333 = tpu.memref_squeeze %dma_wait3A_332 : memref<1x112x128xf32, #tpu.memory_space<vmem>> -> memref<112x128xf32, #tpu.memory_space<vmem>>
      %dma_wait3A_334 = arith.constant 0 : i32
      %dma_wait3A_335 = tpu.memref_slice %arg4[%add3A_60, %dma_wait3A_334] : memref<50000x128xf32, #tpu.memory_space<hbm>> -> memref<112x128xf32, #tpu.memory_space<hbm>>
      %dma_wait3A_336 = arith.constant 0 : i32
      %dma_wait3A_337 = tpu.memref_slice %arg4[%add3A_60, %dma_wait3A_336] : memref<50000x128xf32, #tpu.memory_space<hbm>> -> memref<112x128xf32, #tpu.memory_space<hbm>>
      %dma_wait3A_338 = arith.constant 0 : i32
      %dma_wait3A_339 = arith.constant 0 : i32
      %dma_wait3A_340 = tpu.memref_slice %arg6[%run_scoped3A_61, %dma_wait3A_338, %dma_wait3A_339] : memref<2x112x128xf32, #tpu.memory_space<vmem>> -> memref<1x112x128xf32, #tpu.memory_space<vmem>>
      %dma_wait3A_341 = tpu.memref_squeeze %dma_wait3A_340 : memref<1x112x128xf32, #tpu.memory_space<vmem>> -> memref<112x128xf32, #tpu.memory_space<vmem>>
      tpu.wait_dma2 semaphore(%run_scoped3A_317 : memref<!tpu.dma_semaphore, #tpu.memory_space<semaphore_mem>>) src(%dma_wait3A_341 : memref<112x128xf32, #tpu.memory_space<vmem>>) dst(%dma_wait3A_337 : memref<112x128xf32, #tpu.memory_space<hbm>>)
      tpu.yield
    }) : () -> ()
    %dma_start3A_62 = arith.constant 1 : i32
    %dma_start3A_63 = arith.constant 0 : i32
    %dma_start3A_64 = arith.constant 0 : i32
    %dma_start3A_65 = tpu.memref_slice %arg6[%dma_start3A_62, %dma_start3A_63, %dma_start3A_64] : memref<2x112x128xf32, #tpu.memory_space<vmem>> -> memref<1x112x128xf32, #tpu.memory_space<vmem>>
    %dma_start3A_66 = tpu.memref_squeeze %dma_start3A_65 : memref<1x112x128xf32, #tpu.memory_space<vmem>> -> memref<112x128xf32, #tpu.memory_space<vmem>>
    %dma_start3A_67 = arith.constant 336 : i32
    %dma_start3A_68 = tpu.memref_slice %arg5[%dma_start3A_67] : memref<1568xi32, #tpu.memory_space<vmem>> -> memref<112xi32, #tpu.memory_space<vmem>>
    %dma_start3A_69 = arith.constant 0 : i32
    %dma_start3A_70 = arith.constant 0 : i32
    %dma_start3A_71 = tpu.memref_slice %arg2[%dma_start3A_69, %dma_start3A_70] : memref<4096x128xf32, #tpu.memory_space<hbm>> -> memref<4096x128xf32, #tpu.memory_space<hbm>>
    tpu.enqueue_indirect_dma source(%dma_start3A_71 : memref<4096x128xf32, #tpu.memory_space<hbm>>) target(%dma_start3A_66 : memref<112x128xf32, #tpu.memory_space<vmem>>) offsets(%dma_start3A_68 : memref<112xi32, #tpu.memory_space<vmem>>) semaphore(%arg8 : memref<!tpu.dma_semaphore, #tpu.memory_space<semaphore_mem>>)
    %dma_wait3A_72 = arith.constant 0 : i32
    %dma_wait3A_73 = arith.constant 0 : i32
    %dma_wait3A_74 = arith.constant 0 : i32
    %dma_wait3A_75 = tpu.memref_slice %arg6[%dma_wait3A_72, %dma_wait3A_73, %dma_wait3A_74] : memref<2x112x128xf32, #tpu.memory_space<vmem>> -> memref<1x112x128xf32, #tpu.memory_space<vmem>>
    %dma_wait3A_76 = tpu.memref_squeeze %dma_wait3A_75 : memref<1x112x128xf32, #tpu.memory_space<vmem>> -> memref<112x128xf32, #tpu.memory_space<vmem>>
    %dma_wait3A_77 = arith.constant 224 : i32
    %dma_wait3A_78 = tpu.memref_slice %arg5[%dma_wait3A_77] : memref<1568xi32, #tpu.memory_space<vmem>> -> memref<112xi32, #tpu.memory_space<vmem>>
    %dma_wait3A_79 = arith.constant 0 : i32
    %dma_wait3A_80 = arith.constant 0 : i32
    %dma_wait3A_81 = tpu.memref_slice %arg2[%dma_wait3A_79, %dma_wait3A_80] : memref<4096x128xf32, #tpu.memory_space<hbm>> -> memref<4096x128xf32, #tpu.memory_space<hbm>>
    tpu.wait_indirect_dma semaphore(%arg7 : memref<!tpu.dma_semaphore, #tpu.memory_space<semaphore_mem>>) src(%dma_wait3A_81 : memref<4096x128xf32, #tpu.memory_space<hbm>>) dst(%dma_wait3A_76 : memref<112x128xf32, #tpu.memory_space<vmem>>)
    %add3A_82 = arith.constant 224 : i32
    %add3A_83 = arith.addi %mul3A_2, %add3A_82 : i32
    %run_scoped3A_84 = arith.constant 0 : i32
    "tpu.region"() ({
      %run_scoped3A_317 = tpu.sem_alloc : memref<!tpu.dma_semaphore, #tpu.memory_space<semaphore_mem>>
      %dma_start3A_318 = arith.constant 0 : i32
      %dma_start3A_319 = arith.constant 0 : i32
      %dma_start3A_320 = tpu.memref_slice %arg6[%run_scoped3A_84, %dma_start3A_318, %dma_start3A_319] : memref<2x112x128xf32, #tpu.memory_space<vmem>> -> memref<1x112x128xf32, #tpu.memory_space<vmem>>
      %dma_start3A_321 = tpu.memref_squeeze %dma_start3A_320 : memref<1x112x128xf32, #tpu.memory_space<vmem>> -> memref<112x128xf32, #tpu.memory_space<vmem>>
      %dma_start3A_322 = arith.constant 0 : i32
      %dma_start3A_323 = tpu.memref_slice %arg4[%add3A_83, %dma_start3A_322] : memref<50000x128xf32, #tpu.memory_space<hbm>> -> memref<112x128xf32, #tpu.memory_space<hbm>>
      %dma_start3A_324 = arith.constant 0 : i32
      %dma_start3A_325 = tpu.memref_slice %arg4[%add3A_83, %dma_start3A_324] : memref<50000x128xf32, #tpu.memory_space<hbm>> -> memref<112x128xf32, #tpu.memory_space<hbm>>
      %dma_start3A_326 = arith.constant 0 : i32
      %dma_start3A_327 = arith.constant 0 : i32
      %dma_start3A_328 = tpu.memref_slice %arg6[%run_scoped3A_84, %dma_start3A_326, %dma_start3A_327] : memref<2x112x128xf32, #tpu.memory_space<vmem>> -> memref<1x112x128xf32, #tpu.memory_space<vmem>>
      %dma_start3A_329 = tpu.memref_squeeze %dma_start3A_328 : memref<1x112x128xf32, #tpu.memory_space<vmem>> -> memref<112x128xf32, #tpu.memory_space<vmem>>
      tpu.enqueue_dma source(%dma_start3A_329 : memref<112x128xf32, #tpu.memory_space<vmem>>) target(%dma_start3A_325 : memref<112x128xf32, #tpu.memory_space<hbm>>) target_semaphore(%run_scoped3A_317 : memref<!tpu.dma_semaphore, #tpu.memory_space<semaphore_mem>>)
      %dma_wait3A_330 = arith.constant 0 : i32
      %dma_wait3A_331 = arith.constant 0 : i32
      %dma_wait3A_332 = tpu.memref_slice %arg6[%run_scoped3A_84, %dma_wait3A_330, %dma_wait3A_331] : memref<2x112x128xf32, #tpu.memory_space<vmem>> -> memref<1x112x128xf32, #tpu.memory_space<vmem>>
      %dma_wait3A_333 = tpu.memref_squeeze %dma_wait3A_332 : memref<1x112x128xf32, #tpu.memory_space<vmem>> -> memref<112x128xf32, #tpu.memory_space<vmem>>
      %dma_wait3A_334 = arith.constant 0 : i32
      %dma_wait3A_335 = tpu.memref_slice %arg4[%add3A_83, %dma_wait3A_334] : memref<50000x128xf32, #tpu.memory_space<hbm>> -> memref<112x128xf32, #tpu.memory_space<hbm>>
      %dma_wait3A_336 = arith.constant 0 : i32
      %dma_wait3A_337 = tpu.memref_slice %arg4[%add3A_83, %dma_wait3A_336] : memref<50000x128xf32, #tpu.memory_space<hbm>> -> memref<112x128xf32, #tpu.memory_space<hbm>>
      %dma_wait3A_338 = arith.constant 0 : i32
      %dma_wait3A_339 = arith.constant 0 : i32
      %dma_wait3A_340 = tpu.memref_slice %arg6[%run_scoped3A_84, %dma_wait3A_338, %dma_wait3A_339] : memref<2x112x128xf32, #tpu.memory_space<vmem>> -> memref<1x112x128xf32, #tpu.memory_space<vmem>>
      %dma_wait3A_341 = tpu.memref_squeeze %dma_wait3A_340 : memref<1x112x128xf32, #tpu.memory_space<vmem>> -> memref<112x128xf32, #tpu.memory_space<vmem>>
      tpu.wait_dma2 semaphore(%run_scoped3A_317 : memref<!tpu.dma_semaphore, #tpu.memory_space<semaphore_mem>>) src(%dma_wait3A_341 : memref<112x128xf32, #tpu.memory_space<vmem>>) dst(%dma_wait3A_337 : memref<112x128xf32, #tpu.memory_space<hbm>>)
      tpu.yield
    }) : () -> ()
    %dma_start3A_85 = arith.constant 0 : i32
    %dma_start3A_86 = arith.constant 0 : i32
    %dma_start3A_87 = arith.constant 0 : i32
    %dma_start3A_88 = tpu.memref_slice %arg6[%dma_start3A_85, %dma_start3A_86, %dma_start3A_87] : memref<2x112x128xf32, #tpu.memory_space<vmem>> -> memref<1x112x128xf32, #tpu.memory_space<vmem>>
    %dma_start3A_89 = tpu.memref_squeeze %dma_start3A_88 : memref<1x112x128xf32, #tpu.memory_space<vmem>> -> memref<112x128xf32, #tpu.memory_space<vmem>>
    %dma_start3A_90 = arith.constant 448 : i32
    %dma_start3A_91 = tpu.memref_slice %arg5[%dma_start3A_90] : memref<1568xi32, #tpu.memory_space<vmem>> -> memref<112xi32, #tpu.memory_space<vmem>>
    %dma_start3A_92 = arith.constant 0 : i32
    %dma_start3A_93 = arith.constant 0 : i32
    %dma_start3A_94 = tpu.memref_slice %arg2[%dma_start3A_92, %dma_start3A_93] : memref<4096x128xf32, #tpu.memory_space<hbm>> -> memref<4096x128xf32, #tpu.memory_space<hbm>>
    tpu.enqueue_indirect_dma source(%dma_start3A_94 : memref<4096x128xf32, #tpu.memory_space<hbm>>) target(%dma_start3A_89 : memref<112x128xf32, #tpu.memory_space<vmem>>) offsets(%dma_start3A_91 : memref<112xi32, #tpu.memory_space<vmem>>) semaphore(%arg7 : memref<!tpu.dma_semaphore, #tpu.memory_space<semaphore_mem>>)
    %dma_wait3A_95 = arith.constant 1 : i32
    %dma_wait3A_96 = arith.constant 0 : i32
    %dma_wait3A_97 = arith.constant 0 : i32
    %dma_wait3A_98 = tpu.memref_slice %arg6[%dma_wait3A_95, %dma_wait3A_96, %dma_wait3A_97] : memref<2x112x128xf32, #tpu.memory_space<vmem>> -> memref<1x112x128xf32, #tpu.memory_space<vmem>>
    %dma_wait3A_99 = tpu.memref_squeeze %dma_wait3A_98 : memref<1x112x128xf32, #tpu.memory_space<vmem>> -> memref<112x128xf32, #tpu.memory_space<vmem>>
    %dma_wait3A_100 = arith.constant 336 : i32
    %dma_wait3A_101 = tpu.memref_slice %arg5[%dma_wait3A_100] : memref<1568xi32, #tpu.memory_space<vmem>> -> memref<112xi32, #tpu.memory_space<vmem>>
    %dma_wait3A_102 = arith.constant 0 : i32
    %dma_wait3A_103 = arith.constant 0 : i32
    %dma_wait3A_104 = tpu.memref_slice %arg2[%dma_wait3A_102, %dma_wait3A_103] : memref<4096x128xf32, #tpu.memory_space<hbm>> -> memref<4096x128xf32, #tpu.memory_space<hbm>>
    tpu.wait_indirect_dma semaphore(%arg8 : memref<!tpu.dma_semaphore, #tpu.memory_space<semaphore_mem>>) src(%dma_wait3A_104 : memref<4096x128xf32, #tpu.memory_space<hbm>>) dst(%dma_wait3A_99 : memref<112x128xf32, #tpu.memory_space<vmem>>)
    %add3A_105 = arith.constant 336 : i32
    %add3A_106 = arith.addi %mul3A_2, %add3A_105 : i32
    %run_scoped3A_107 = arith.constant 1 : i32
    "tpu.region"() ({
      %run_scoped3A_317 = tpu.sem_alloc : memref<!tpu.dma_semaphore, #tpu.memory_space<semaphore_mem>>
      %dma_start3A_318 = arith.constant 0 : i32
      %dma_start3A_319 = arith.constant 0 : i32
      %dma_start3A_320 = tpu.memref_slice %arg6[%run_scoped3A_107, %dma_start3A_318, %dma_start3A_319] : memref<2x112x128xf32, #tpu.memory_space<vmem>> -> memref<1x112x128xf32, #tpu.memory_space<vmem>>
      %dma_start3A_321 = tpu.memref_squeeze %dma_start3A_320 : memref<1x112x128xf32, #tpu.memory_space<vmem>> -> memref<112x128xf32, #tpu.memory_space<vmem>>
      %dma_start3A_322 = arith.constant 0 : i32
      %dma_start3A_323 = tpu.memref_slice %arg4[%add3A_106, %dma_start3A_322] : memref<50000x128xf32, #tpu.memory_space<hbm>> -> memref<112x128xf32, #tpu.memory_space<hbm>>
      %dma_start3A_324 = arith.constant 0 : i32
      %dma_start3A_325 = tpu.memref_slice %arg4[%add3A_106, %dma_start3A_324] : memref<50000x128xf32, #tpu.memory_space<hbm>> -> memref<112x128xf32, #tpu.memory_space<hbm>>
      %dma_start3A_326 = arith.constant 0 : i32
      %dma_start3A_327 = arith.constant 0 : i32
      %dma_start3A_328 = tpu.memref_slice %arg6[%run_scoped3A_107, %dma_start3A_326, %dma_start3A_327] : memref<2x112x128xf32, #tpu.memory_space<vmem>> -> memref<1x112x128xf32, #tpu.memory_space<vmem>>
      %dma_start3A_329 = tpu.memref_squeeze %dma_start3A_328 : memref<1x112x128xf32, #tpu.memory_space<vmem>> -> memref<112x128xf32, #tpu.memory_space<vmem>>
      tpu.enqueue_dma source(%dma_start3A_329 : memref<112x128xf32, #tpu.memory_space<vmem>>) target(%dma_start3A_325 : memref<112x128xf32, #tpu.memory_space<hbm>>) target_semaphore(%run_scoped3A_317 : memref<!tpu.dma_semaphore, #tpu.memory_space<semaphore_mem>>)
      %dma_wait3A_330 = arith.constant 0 : i32
      %dma_wait3A_331 = arith.constant 0 : i32
      %dma_wait3A_332 = tpu.memref_slice %arg6[%run_scoped3A_107, %dma_wait3A_330, %dma_wait3A_331] : memref<2x112x128xf32, #tpu.memory_space<vmem>> -> memref<1x112x128xf32, #tpu.memory_space<vmem>>
      %dma_wait3A_333 = tpu.memref_squeeze %dma_wait3A_332 : memref<1x112x128xf32, #tpu.memory_space<vmem>> -> memref<112x128xf32, #tpu.memory_space<vmem>>
      %dma_wait3A_334 = arith.constant 0 : i32
      %dma_wait3A_335 = tpu.memref_slice %arg4[%add3A_106, %dma_wait3A_334] : memref<50000x128xf32, #tpu.memory_space<hbm>> -> memref<112x128xf32, #tpu.memory_space<hbm>>
      %dma_wait3A_336 = arith.constant 0 : i32
      %dma_wait3A_337 = tpu.memref_slice %arg4[%add3A_106, %dma_wait3A_336] : memref<50000x128xf32, #tpu.memory_space<hbm>> -> memref<112x128xf32, #tpu.memory_space<hbm>>
      %dma_wait3A_338 = arith.constant 0 : i32
      %dma_wait3A_339 = arith.constant 0 : i32
      %dma_wait3A_340 = tpu.memref_slice %arg6[%run_scoped3A_107, %dma_wait3A_338, %dma_wait3A_339] : memref<2x112x128xf32, #tpu.memory_space<vmem>> -> memref<1x112x128xf32, #tpu.memory_space<vmem>>
      %dma_wait3A_341 = tpu.memref_squeeze %dma_wait3A_340 : memref<1x112x128xf32, #tpu.memory_space<vmem>> -> memref<112x128xf32, #tpu.memory_space<vmem>>
      tpu.wait_dma2 semaphore(%run_scoped3A_317 : memref<!tpu.dma_semaphore, #tpu.memory_space<semaphore_mem>>) src(%dma_wait3A_341 : memref<112x128xf32, #tpu.memory_space<vmem>>) dst(%dma_wait3A_337 : memref<112x128xf32, #tpu.memory_space<hbm>>)
      tpu.yield
    }) : () -> ()
    %dma_start3A_108 = arith.constant 1 : i32
    %dma_start3A_109 = arith.constant 0 : i32
    %dma_start3A_110 = arith.constant 0 : i32
    %dma_start3A_111 = tpu.memref_slice %arg6[%dma_start3A_108, %dma_start3A_109, %dma_start3A_110] : memref<2x112x128xf32, #tpu.memory_space<vmem>> -> memref<1x112x128xf32, #tpu.memory_space<vmem>>
    %dma_start3A_112 = tpu.memref_squeeze %dma_start3A_111 : memref<1x112x128xf32, #tpu.memory_space<vmem>> -> memref<112x128xf32, #tpu.memory_space<vmem>>
    %dma_start3A_113 = arith.constant 560 : i32
    %dma_start3A_114 = tpu.memref_slice %arg5[%dma_start3A_113] : memref<1568xi32, #tpu.memory_space<vmem>> -> memref<112xi32, #tpu.memory_space<vmem>>
    %dma_start3A_115 = arith.constant 0 : i32
    %dma_start3A_116 = arith.constant 0 : i32
    %dma_start3A_117 = tpu.memref_slice %arg2[%dma_start3A_115, %dma_start3A_116] : memref<4096x128xf32, #tpu.memory_space<hbm>> -> memref<4096x128xf32, #tpu.memory_space<hbm>>
    tpu.enqueue_indirect_dma source(%dma_start3A_117 : memref<4096x128xf32, #tpu.memory_space<hbm>>) target(%dma_start3A_112 : memref<112x128xf32, #tpu.memory_space<vmem>>) offsets(%dma_start3A_114 : memref<112xi32, #tpu.memory_space<vmem>>) semaphore(%arg8 : memref<!tpu.dma_semaphore, #tpu.memory_space<semaphore_mem>>)
    %dma_wait3A_118 = arith.constant 0 : i32
    %dma_wait3A_119 = arith.constant 0 : i32
    %dma_wait3A_120 = arith.constant 0 : i32
    %dma_wait3A_121 = tpu.memref_slice %arg6[%dma_wait3A_118, %dma_wait3A_119, %dma_wait3A_120] : memref<2x112x128xf32, #tpu.memory_space<vmem>> -> memref<1x112x128xf32, #tpu.memory_space<vmem>>
    %dma_wait3A_122 = tpu.memref_squeeze %dma_wait3A_121 : memref<1x112x128xf32, #tpu.memory_space<vmem>> -> memref<112x128xf32, #tpu.memory_space<vmem>>
    %dma_wait3A_123 = arith.constant 448 : i32
    %dma_wait3A_124 = tpu.memref_slice %arg5[%dma_wait3A_123] : memref<1568xi32, #tpu.memory_space<vmem>> -> memref<112xi32, #tpu.memory_space<vmem>>
    %dma_wait3A_125 = arith.constant 0 : i32
    %dma_wait3A_126 = arith.constant 0 : i32
    %dma_wait3A_127 = tpu.memref_slice %arg2[%dma_wait3A_125, %dma_wait3A_126] : memref<4096x128xf32, #tpu.memory_space<hbm>> -> memref<4096x128xf32, #tpu.memory_space<hbm>>
    tpu.wait_indirect_dma semaphore(%arg7 : memref<!tpu.dma_semaphore, #tpu.memory_space<semaphore_mem>>) src(%dma_wait3A_127 : memref<4096x128xf32, #tpu.memory_space<hbm>>) dst(%dma_wait3A_122 : memref<112x128xf32, #tpu.memory_space<vmem>>)
    %add3A_128 = arith.constant 448 : i32
    %add3A_129 = arith.addi %mul3A_2, %add3A_128 : i32
    %run_scoped3A_130 = arith.constant 0 : i32
    "tpu.region"() ({
      %run_scoped3A_317 = tpu.sem_alloc : memref<!tpu.dma_semaphore, #tpu.memory_space<semaphore_mem>>
      %dma_start3A_318 = arith.constant 0 : i32
      %dma_start3A_319 = arith.constant 0 : i32
      %dma_start3A_320 = tpu.memref_slice %arg6[%run_scoped3A_130, %dma_start3A_318, %dma_start3A_319] : memref<2x112x128xf32, #tpu.memory_space<vmem>> -> memref<1x112x128xf32, #tpu.memory_space<vmem>>
      %dma_start3A_321 = tpu.memref_squeeze %dma_start3A_320 : memref<1x112x128xf32, #tpu.memory_space<vmem>> -> memref<112x128xf32, #tpu.memory_space<vmem>>
      %dma_start3A_322 = arith.constant 0 : i32
      %dma_start3A_323 = tpu.memref_slice %arg4[%add3A_129, %dma_start3A_322] : memref<50000x128xf32, #tpu.memory_space<hbm>> -> memref<112x128xf32, #tpu.memory_space<hbm>>
      %dma_start3A_324 = arith.constant 0 : i32
      %dma_start3A_325 = tpu.memref_slice %arg4[%add3A_129, %dma_start3A_324] : memref<50000x128xf32, #tpu.memory_space<hbm>> -> memref<112x128xf32, #tpu.memory_space<hbm>>
      %dma_start3A_326 = arith.constant 0 : i32
      %dma_start3A_327 = arith.constant 0 : i32
      %dma_start3A_328 = tpu.memref_slice %arg6[%run_scoped3A_130, %dma_start3A_326, %dma_start3A_327] : memref<2x112x128xf32, #tpu.memory_space<vmem>> -> memref<1x112x128xf32, #tpu.memory_space<vmem>>
      %dma_start3A_329 = tpu.memref_squeeze %dma_start3A_328 : memref<1x112x128xf32, #tpu.memory_space<vmem>> -> memref<112x128xf32, #tpu.memory_space<vmem>>
      tpu.enqueue_dma source(%dma_start3A_329 : memref<112x128xf32, #tpu.memory_space<vmem>>) target(%dma_start3A_325 : memref<112x128xf32, #tpu.memory_space<hbm>>) target_semaphore(%run_scoped3A_317 : memref<!tpu.dma_semaphore, #tpu.memory_space<semaphore_mem>>)
      %dma_wait3A_330 = arith.constant 0 : i32
      %dma_wait3A_331 = arith.constant 0 : i32
      %dma_wait3A_332 = tpu.memref_slice %arg6[%run_scoped3A_130, %dma_wait3A_330, %dma_wait3A_331] : memref<2x112x128xf32, #tpu.memory_space<vmem>> -> memref<1x112x128xf32, #tpu.memory_space<vmem>>
      %dma_wait3A_333 = tpu.memref_squeeze %dma_wait3A_332 : memref<1x112x128xf32, #tpu.memory_space<vmem>> -> memref<112x128xf32, #tpu.memory_space<vmem>>
      %dma_wait3A_334 = arith.constant 0 : i32
      %dma_wait3A_335 = tpu.memref_slice %arg4[%add3A_129, %dma_wait3A_334] : memref<50000x128xf32, #tpu.memory_space<hbm>> -> memref<112x128xf32, #tpu.memory_space<hbm>>
      %dma_wait3A_336 = arith.constant 0 : i32
      %dma_wait3A_337 = tpu.memref_slice %arg4[%add3A_129, %dma_wait3A_336] : memref<50000x128xf32, #tpu.memory_space<hbm>> -> memref<112x128xf32, #tpu.memory_space<hbm>>
      %dma_wait3A_338 = arith.constant 0 : i32
      %dma_wait3A_339 = arith.constant 0 : i32
      %dma_wait3A_340 = tpu.memref_slice %arg6[%run_scoped3A_130, %dma_wait3A_338, %dma_wait3A_339] : memref<2x112x128xf32, #tpu.memory_space<vmem>> -> memref<1x112x128xf32, #tpu.memory_space<vmem>>
      %dma_wait3A_341 = tpu.memref_squeeze %dma_wait3A_340 : memref<1x112x128xf32, #tpu.memory_space<vmem>> -> memref<112x128xf32, #tpu.memory_space<vmem>>
      tpu.wait_dma2 semaphore(%run_scoped3A_317 : memref<!tpu.dma_semaphore, #tpu.memory_space<semaphore_mem>>) src(%dma_wait3A_341 : memref<112x128xf32, #tpu.memory_space<vmem>>) dst(%dma_wait3A_337 : memref<112x128xf32, #tpu.memory_space<hbm>>)
      tpu.yield
    }) : () -> ()
    %dma_start3A_131 = arith.constant 0 : i32
    %dma_start3A_132 = arith.constant 0 : i32
    %dma_start3A_133 = arith.constant 0 : i32
    %dma_start3A_134 = tpu.memref_slice %arg6[%dma_start3A_131, %dma_start3A_132, %dma_start3A_133] : memref<2x112x128xf32, #tpu.memory_space<vmem>> -> memref<1x112x128xf32, #tpu.memory_space<vmem>>
    %dma_start3A_135 = tpu.memref_squeeze %dma_start3A_134 : memref<1x112x128xf32, #tpu.memory_space<vmem>> -> memref<112x128xf32, #tpu.memory_space<vmem>>
    %dma_start3A_136 = arith.constant 672 : i32
    %dma_start3A_137 = tpu.memref_slice %arg5[%dma_start3A_136] : memref<1568xi32, #tpu.memory_space<vmem>> -> memref<112xi32, #tpu.memory_space<vmem>>
    %dma_start3A_138 = arith.constant 0 : i32
    %dma_start3A_139 = arith.constant 0 : i32
    %dma_start3A_140 = tpu.memref_slice %arg2[%dma_start3A_138, %dma_start3A_139] : memref<4096x128xf32, #tpu.memory_space<hbm>> -> memref<4096x128xf32, #tpu.memory_space<hbm>>
    tpu.enqueue_indirect_dma source(%dma_start3A_140 : memref<4096x128xf32, #tpu.memory_space<hbm>>) target(%dma_start3A_135 : memref<112x128xf32, #tpu.memory_space<vmem>>) offsets(%dma_start3A_137 : memref<112xi32, #tpu.memory_space<vmem>>) semaphore(%arg7 : memref<!tpu.dma_semaphore, #tpu.memory_space<semaphore_mem>>)
    %dma_wait3A_141 = arith.constant 1 : i32
    %dma_wait3A_142 = arith.constant 0 : i32
    %dma_wait3A_143 = arith.constant 0 : i32
    %dma_wait3A_144 = tpu.memref_slice %arg6[%dma_wait3A_141, %dma_wait3A_142, %dma_wait3A_143] : memref<2x112x128xf32, #tpu.memory_space<vmem>> -> memref<1x112x128xf32, #tpu.memory_space<vmem>>
    %dma_wait3A_145 = tpu.memref_squeeze %dma_wait3A_144 : memref<1x112x128xf32, #tpu.memory_space<vmem>> -> memref<112x128xf32, #tpu.memory_space<vmem>>
    %dma_wait3A_146 = arith.constant 560 : i32
    %dma_wait3A_147 = tpu.memref_slice %arg5[%dma_wait3A_146] : memref<1568xi32, #tpu.memory_space<vmem>> -> memref<112xi32, #tpu.memory_space<vmem>>
    %dma_wait3A_148 = arith.constant 0 : i32
    %dma_wait3A_149 = arith.constant 0 : i32
    %dma_wait3A_150 = tpu.memref_slice %arg2[%dma_wait3A_148, %dma_wait3A_149] : memref<4096x128xf32, #tpu.memory_space<hbm>> -> memref<4096x128xf32, #tpu.memory_space<hbm>>
    tpu.wait_indirect_dma semaphore(%arg8 : memref<!tpu.dma_semaphore, #tpu.memory_space<semaphore_mem>>) src(%dma_wait3A_150 : memref<4096x128xf32, #tpu.memory_space<hbm>>) dst(%dma_wait3A_145 : memref<112x128xf32, #tpu.memory_space<vmem>>)
    %add3A_151 = arith.constant 560 : i32
    %add3A_152 = arith.addi %mul3A_2, %add3A_151 : i32
    %run_scoped3A_153 = arith.constant 1 : i32
    "tpu.region"() ({
      %run_scoped3A_317 = tpu.sem_alloc : memref<!tpu.dma_semaphore, #tpu.memory_space<semaphore_mem>>
      %dma_start3A_318 = arith.constant 0 : i32
      %dma_start3A_319 = arith.constant 0 : i32
      %dma_start3A_320 = tpu.memref_slice %arg6[%run_scoped3A_153, %dma_start3A_318, %dma_start3A_319] : memref<2x112x128xf32, #tpu.memory_space<vmem>> -> memref<1x112x128xf32, #tpu.memory_space<vmem>>
      %dma_start3A_321 = tpu.memref_squeeze %dma_start3A_320 : memref<1x112x128xf32, #tpu.memory_space<vmem>> -> memref<112x128xf32, #tpu.memory_space<vmem>>
      %dma_start3A_322 = arith.constant 0 : i32
      %dma_start3A_323 = tpu.memref_slice %arg4[%add3A_152, %dma_start3A_322] : memref<50000x128xf32, #tpu.memory_space<hbm>> -> memref<112x128xf32, #tpu.memory_space<hbm>>
      %dma_start3A_324 = arith.constant 0 : i32
      %dma_start3A_325 = tpu.memref_slice %arg4[%add3A_152, %dma_start3A_324] : memref<50000x128xf32, #tpu.memory_space<hbm>> -> memref<112x128xf32, #tpu.memory_space<hbm>>
      %dma_start3A_326 = arith.constant 0 : i32
      %dma_start3A_327 = arith.constant 0 : i32
      %dma_start3A_328 = tpu.memref_slice %arg6[%run_scoped3A_153, %dma_start3A_326, %dma_start3A_327] : memref<2x112x128xf32, #tpu.memory_space<vmem>> -> memref<1x112x128xf32, #tpu.memory_space<vmem>>
      %dma_start3A_329 = tpu.memref_squeeze %dma_start3A_328 : memref<1x112x128xf32, #tpu.memory_space<vmem>> -> memref<112x128xf32, #tpu.memory_space<vmem>>
      tpu.enqueue_dma source(%dma_start3A_329 : memref<112x128xf32, #tpu.memory_space<vmem>>) target(%dma_start3A_325 : memref<112x128xf32, #tpu.memory_space<hbm>>) target_semaphore(%run_scoped3A_317 : memref<!tpu.dma_semaphore, #tpu.memory_space<semaphore_mem>>)
      %dma_wait3A_330 = arith.constant 0 : i32
      %dma_wait3A_331 = arith.constant 0 : i32
      %dma_wait3A_332 = tpu.memref_slice %arg6[%run_scoped3A_153, %dma_wait3A_330, %dma_wait3A_331] : memref<2x112x128xf32, #tpu.memory_space<vmem>> -> memref<1x112x128xf32, #tpu.memory_space<vmem>>
      %dma_wait3A_333 = tpu.memref_squeeze %dma_wait3A_332 : memref<1x112x128xf32, #tpu.memory_space<vmem>> -> memref<112x128xf32, #tpu.memory_space<vmem>>
      %dma_wait3A_334 = arith.constant 0 : i32
      %dma_wait3A_335 = tpu.memref_slice %arg4[%add3A_152, %dma_wait3A_334] : memref<50000x128xf32, #tpu.memory_space<hbm>> -> memref<112x128xf32, #tpu.memory_space<hbm>>
      %dma_wait3A_336 = arith.constant 0 : i32
      %dma_wait3A_337 = tpu.memref_slice %arg4[%add3A_152, %dma_wait3A_336] : memref<50000x128xf32, #tpu.memory_space<hbm>> -> memref<112x128xf32, #tpu.memory_space<hbm>>
      %dma_wait3A_338 = arith.constant 0 : i32
      %dma_wait3A_339 = arith.constant 0 : i32
      %dma_wait3A_340 = tpu.memref_slice %arg6[%run_scoped3A_153, %dma_wait3A_338, %dma_wait3A_339] : memref<2x112x128xf32, #tpu.memory_space<vmem>> -> memref<1x112x128xf32, #tpu.memory_space<vmem>>
      %dma_wait3A_341 = tpu.memref_squeeze %dma_wait3A_340 : memref<1x112x128xf32, #tpu.memory_space<vmem>> -> memref<112x128xf32, #tpu.memory_space<vmem>>
      tpu.wait_dma2 semaphore(%run_scoped3A_317 : memref<!tpu.dma_semaphore, #tpu.memory_space<semaphore_mem>>) src(%dma_wait3A_341 : memref<112x128xf32, #tpu.memory_space<vmem>>) dst(%dma_wait3A_337 : memref<112x128xf32, #tpu.memory_space<hbm>>)
      tpu.yield
    }) : () -> ()
    %dma_start3A_154 = arith.constant 1 : i32
    %dma_start3A_155 = arith.constant 0 : i32
    %dma_start3A_156 = arith.constant 0 : i32
    %dma_start3A_157 = tpu.memref_slice %arg6[%dma_start3A_154, %dma_start3A_155, %dma_start3A_156] : memref<2x112x128xf32, #tpu.memory_space<vmem>> -> memref<1x112x128xf32, #tpu.memory_space<vmem>>
    %dma_start3A_158 = tpu.memref_squeeze %dma_start3A_157 : memref<1x112x128xf32, #tpu.memory_space<vmem>> -> memref<112x128xf32, #tpu.memory_space<vmem>>
    %dma_start3A_159 = arith.constant 784 : i32
    %dma_start3A_160 = tpu.memref_slice %arg5[%dma_start3A_159] : memref<1568xi32, #tpu.memory_space<vmem>> -> memref<112xi32, #tpu.memory_space<vmem>>
    %dma_start3A_161 = arith.constant 0 : i32
    %dma_start3A_162 = arith.constant 0 : i32
    %dma_start3A_163 = tpu.memref_slice %arg2[%dma_start3A_161, %dma_start3A_162] : memref<4096x128xf32, #tpu.memory_space<hbm>> -> memref<4096x128xf32, #tpu.memory_space<hbm>>
    tpu.enqueue_indirect_dma source(%dma_start3A_163 : memref<4096x128xf32, #tpu.memory_space<hbm>>) target(%dma_start3A_158 : memref<112x128xf32, #tpu.memory_space<vmem>>) offsets(%dma_start3A_160 : memref<112xi32, #tpu.memory_space<vmem>>) semaphore(%arg8 : memref<!tpu.dma_semaphore, #tpu.memory_space<semaphore_mem>>)
    %dma_wait3A_164 = arith.constant 0 : i32
    %dma_wait3A_165 = arith.constant 0 : i32
    %dma_wait3A_166 = arith.constant 0 : i32
    %dma_wait3A_167 = tpu.memref_slice %arg6[%dma_wait3A_164, %dma_wait3A_165, %dma_wait3A_166] : memref<2x112x128xf32, #tpu.memory_space<vmem>> -> memref<1x112x128xf32, #tpu.memory_space<vmem>>
    %dma_wait3A_168 = tpu.memref_squeeze %dma_wait3A_167 : memref<1x112x128xf32, #tpu.memory_space<vmem>> -> memref<112x128xf32, #tpu.memory_space<vmem>>
    %dma_wait3A_169 = arith.constant 672 : i32
    %dma_wait3A_170 = tpu.memref_slice %arg5[%dma_wait3A_169] : memref<1568xi32, #tpu.memory_space<vmem>> -> memref<112xi32, #tpu.memory_space<vmem>>
    %dma_wait3A_171 = arith.constant 0 : i32
    %dma_wait3A_172 = arith.constant 0 : i32
    %dma_wait3A_173 = tpu.memref_slice %arg2[%dma_wait3A_171, %dma_wait3A_172] : memref<4096x128xf32, #tpu.memory_space<hbm>> -> memref<4096x128xf32, #tpu.memory_space<hbm>>
    tpu.wait_indirect_dma semaphore(%arg7 : memref<!tpu.dma_semaphore, #tpu.memory_space<semaphore_mem>>) src(%dma_wait3A_173 : memref<4096x128xf32, #tpu.memory_space<hbm>>) dst(%dma_wait3A_168 : memref<112x128xf32, #tpu.memory_space<vmem>>)
    %add3A_174 = arith.constant 672 : i32
    %add3A_175 = arith.addi %mul3A_2, %add3A_174 : i32
    %run_scoped3A_176 = arith.constant 0 : i32
    "tpu.region"() ({
      %run_scoped3A_317 = tpu.sem_alloc : memref<!tpu.dma_semaphore, #tpu.memory_space<semaphore_mem>>
      %dma_start3A_318 = arith.constant 0 : i32
      %dma_start3A_319 = arith.constant 0 : i32
      %dma_start3A_320 = tpu.memref_slice %arg6[%run_scoped3A_176, %dma_start3A_318, %dma_start3A_319] : memref<2x112x128xf32, #tpu.memory_space<vmem>> -> memref<1x112x128xf32, #tpu.memory_space<vmem>>
      %dma_start3A_321 = tpu.memref_squeeze %dma_start3A_320 : memref<1x112x128xf32, #tpu.memory_space<vmem>> -> memref<112x128xf32, #tpu.memory_space<vmem>>
      %dma_start3A_322 = arith.constant 0 : i32
      %dma_start3A_323 = tpu.memref_slice %arg4[%add3A_175, %dma_start3A_322] : memref<50000x128xf32, #tpu.memory_space<hbm>> -> memref<112x128xf32, #tpu.memory_space<hbm>>
      %dma_start3A_324 = arith.constant 0 : i32
      %dma_start3A_325 = tpu.memref_slice %arg4[%add3A_175, %dma_start3A_324] : memref<50000x128xf32, #tpu.memory_space<hbm>> -> memref<112x128xf32, #tpu.memory_space<hbm>>
      %dma_start3A_326 = arith.constant 0 : i32
      %dma_start3A_327 = arith.constant 0 : i32
      %dma_start3A_328 = tpu.memref_slice %arg6[%run_scoped3A_176, %dma_start3A_326, %dma_start3A_327] : memref<2x112x128xf32, #tpu.memory_space<vmem>> -> memref<1x112x128xf32, #tpu.memory_space<vmem>>
      %dma_start3A_329 = tpu.memref_squeeze %dma_start3A_328 : memref<1x112x128xf32, #tpu.memory_space<vmem>> -> memref<112x128xf32, #tpu.memory_space<vmem>>
      tpu.enqueue_dma source(%dma_start3A_329 : memref<112x128xf32, #tpu.memory_space<vmem>>) target(%dma_start3A_325 : memref<112x128xf32, #tpu.memory_space<hbm>>) target_semaphore(%run_scoped3A_317 : memref<!tpu.dma_semaphore, #tpu.memory_space<semaphore_mem>>)
      %dma_wait3A_330 = arith.constant 0 : i32
      %dma_wait3A_331 = arith.constant 0 : i32
      %dma_wait3A_332 = tpu.memref_slice %arg6[%run_scoped3A_176, %dma_wait3A_330, %dma_wait3A_331] : memref<2x112x128xf32, #tpu.memory_space<vmem>> -> memref<1x112x128xf32, #tpu.memory_space<vmem>>
      %dma_wait3A_333 = tpu.memref_squeeze %dma_wait3A_332 : memref<1x112x128xf32, #tpu.memory_space<vmem>> -> memref<112x128xf32, #tpu.memory_space<vmem>>
      %dma_wait3A_334 = arith.constant 0 : i32
      %dma_wait3A_335 = tpu.memref_slice %arg4[%add3A_175, %dma_wait3A_334] : memref<50000x128xf32, #tpu.memory_space<hbm>> -> memref<112x128xf32, #tpu.memory_space<hbm>>
      %dma_wait3A_336 = arith.constant 0 : i32
      %dma_wait3A_337 = tpu.memref_slice %arg4[%add3A_175, %dma_wait3A_336] : memref<50000x128xf32, #tpu.memory_space<hbm>> -> memref<112x128xf32, #tpu.memory_space<hbm>>
      %dma_wait3A_338 = arith.constant 0 : i32
      %dma_wait3A_339 = arith.constant 0 : i32
      %dma_wait3A_340 = tpu.memref_slice %arg6[%run_scoped3A_176, %dma_wait3A_338, %dma_wait3A_339] : memref<2x112x128xf32, #tpu.memory_space<vmem>> -> memref<1x112x128xf32, #tpu.memory_space<vmem>>
      %dma_wait3A_341 = tpu.memref_squeeze %dma_wait3A_340 : memref<1x112x128xf32, #tpu.memory_space<vmem>> -> memref<112x128xf32, #tpu.memory_space<vmem>>
      tpu.wait_dma2 semaphore(%run_scoped3A_317 : memref<!tpu.dma_semaphore, #tpu.memory_space<semaphore_mem>>) src(%dma_wait3A_341 : memref<112x128xf32, #tpu.memory_space<vmem>>) dst(%dma_wait3A_337 : memref<112x128xf32, #tpu.memory_space<hbm>>)
      tpu.yield
    }) : () -> ()
    %dma_start3A_177 = arith.constant 0 : i32
    %dma_start3A_178 = arith.constant 0 : i32
    %dma_start3A_179 = arith.constant 0 : i32
    %dma_start3A_180 = tpu.memref_slice %arg6[%dma_start3A_177, %dma_start3A_178, %dma_start3A_179] : memref<2x112x128xf32, #tpu.memory_space<vmem>> -> memref<1x112x128xf32, #tpu.memory_space<vmem>>
    %dma_start3A_181 = tpu.memref_squeeze %dma_start3A_180 : memref<1x112x128xf32, #tpu.memory_space<vmem>> -> memref<112x128xf32, #tpu.memory_space<vmem>>
    %dma_start3A_182 = arith.constant 896 : i32
    %dma_start3A_183 = tpu.memref_slice %arg5[%dma_start3A_182] : memref<1568xi32, #tpu.memory_space<vmem>> -> memref<112xi32, #tpu.memory_space<vmem>>
    %dma_start3A_184 = arith.constant 0 : i32
    %dma_start3A_185 = arith.constant 0 : i32
    %dma_start3A_186 = tpu.memref_slice %arg2[%dma_start3A_184, %dma_start3A_185] : memref<4096x128xf32, #tpu.memory_space<hbm>> -> memref<4096x128xf32, #tpu.memory_space<hbm>>
    tpu.enqueue_indirect_dma source(%dma_start3A_186 : memref<4096x128xf32, #tpu.memory_space<hbm>>) target(%dma_start3A_181 : memref<112x128xf32, #tpu.memory_space<vmem>>) offsets(%dma_start3A_183 : memref<112xi32, #tpu.memory_space<vmem>>) semaphore(%arg7 : memref<!tpu.dma_semaphore, #tpu.memory_space<semaphore_mem>>)
    %dma_wait3A_187 = arith.constant 1 : i32
    %dma_wait3A_188 = arith.constant 0 : i32
    %dma_wait3A_189 = arith.constant 0 : i32
    %dma_wait3A_190 = tpu.memref_slice %arg6[%dma_wait3A_187, %dma_wait3A_188, %dma_wait3A_189] : memref<2x112x128xf32, #tpu.memory_space<vmem>> -> memref<1x112x128xf32, #tpu.memory_space<vmem>>
    %dma_wait3A_191 = tpu.memref_squeeze %dma_wait3A_190 : memref<1x112x128xf32, #tpu.memory_space<vmem>> -> memref<112x128xf32, #tpu.memory_space<vmem>>
    %dma_wait3A_192 = arith.constant 784 : i32
    %dma_wait3A_193 = tpu.memref_slice %arg5[%dma_wait3A_192] : memref<1568xi32, #tpu.memory_space<vmem>> -> memref<112xi32, #tpu.memory_space<vmem>>
    %dma_wait3A_194 = arith.constant 0 : i32
    %dma_wait3A_195 = arith.constant 0 : i32
    %dma_wait3A_196 = tpu.memref_slice %arg2[%dma_wait3A_194, %dma_wait3A_195] : memref<4096x128xf32, #tpu.memory_space<hbm>> -> memref<4096x128xf32, #tpu.memory_space<hbm>>
    tpu.wait_indirect_dma semaphore(%arg8 : memref<!tpu.dma_semaphore, #tpu.memory_space<semaphore_mem>>) src(%dma_wait3A_196 : memref<4096x128xf32, #tpu.memory_space<hbm>>) dst(%dma_wait3A_191 : memref<112x128xf32, #tpu.memory_space<vmem>>)
    %add3A_197 = arith.constant 784 : i32
    %add3A_198 = arith.addi %mul3A_2, %add3A_197 : i32
    %run_scoped3A_199 = arith.constant 1 : i32
    "tpu.region"() ({
      %run_scoped3A_317 = tpu.sem_alloc : memref<!tpu.dma_semaphore, #tpu.memory_space<semaphore_mem>>
      %dma_start3A_318 = arith.constant 0 : i32
      %dma_start3A_319 = arith.constant 0 : i32
      %dma_start3A_320 = tpu.memref_slice %arg6[%run_scoped3A_199, %dma_start3A_318, %dma_start3A_319] : memref<2x112x128xf32, #tpu.memory_space<vmem>> -> memref<1x112x128xf32, #tpu.memory_space<vmem>>
      %dma_start3A_321 = tpu.memref_squeeze %dma_start3A_320 : memref<1x112x128xf32, #tpu.memory_space<vmem>> -> memref<112x128xf32, #tpu.memory_space<vmem>>
      %dma_start3A_322 = arith.constant 0 : i32
      %dma_start3A_323 = tpu.memref_slice %arg4[%add3A_198, %dma_start3A_322] : memref<50000x128xf32, #tpu.memory_space<hbm>> -> memref<112x128xf32, #tpu.memory_space<hbm>>
      %dma_start3A_324 = arith.constant 0 : i32
      %dma_start3A_325 = tpu.memref_slice %arg4[%add3A_198, %dma_start3A_324] : memref<50000x128xf32, #tpu.memory_space<hbm>> -> memref<112x128xf32, #tpu.memory_space<hbm>>
      %dma_start3A_326 = arith.constant 0 : i32
      %dma_start3A_327 = arith.constant 0 : i32
      %dma_start3A_328 = tpu.memref_slice %arg6[%run_scoped3A_199, %dma_start3A_326, %dma_start3A_327] : memref<2x112x128xf32, #tpu.memory_space<vmem>> -> memref<1x112x128xf32, #tpu.memory_space<vmem>>
      %dma_start3A_329 = tpu.memref_squeeze %dma_start3A_328 : memref<1x112x128xf32, #tpu.memory_space<vmem>> -> memref<112x128xf32, #tpu.memory_space<vmem>>
      tpu.enqueue_dma source(%dma_start3A_329 : memref<112x128xf32, #tpu.memory_space<vmem>>) target(%dma_start3A_325 : memref<112x128xf32, #tpu.memory_space<hbm>>) target_semaphore(%run_scoped3A_317 : memref<!tpu.dma_semaphore, #tpu.memory_space<semaphore_mem>>)
      %dma_wait3A_330 = arith.constant 0 : i32
      %dma_wait3A_331 = arith.constant 0 : i32
      %dma_wait3A_332 = tpu.memref_slice %arg6[%run_scoped3A_199, %dma_wait3A_330, %dma_wait3A_331] : memref<2x112x128xf32, #tpu.memory_space<vmem>> -> memref<1x112x128xf32, #tpu.memory_space<vmem>>
      %dma_wait3A_333 = tpu.memref_squeeze %dma_wait3A_332 : memref<1x112x128xf32, #tpu.memory_space<vmem>> -> memref<112x128xf32, #tpu.memory_space<vmem>>
      %dma_wait3A_334 = arith.constant 0 : i32
      %dma_wait3A_335 = tpu.memref_slice %arg4[%add3A_198, %dma_wait3A_334] : memref<50000x128xf32, #tpu.memory_space<hbm>> -> memref<112x128xf32, #tpu.memory_space<hbm>>
      %dma_wait3A_336 = arith.constant 0 : i32
      %dma_wait3A_337 = tpu.memref_slice %arg4[%add3A_198, %dma_wait3A_336] : memref<50000x128xf32, #tpu.memory_space<hbm>> -> memref<112x128xf32, #tpu.memory_space<hbm>>
      %dma_wait3A_338 = arith.constant 0 : i32
      %dma_wait3A_339 = arith.constant 0 : i32
      %dma_wait3A_340 = tpu.memref_slice %arg6[%run_scoped3A_199, %dma_wait3A_338, %dma_wait3A_339] : memref<2x112x128xf32, #tpu.memory_space<vmem>> -> memref<1x112x128xf32, #tpu.memory_space<vmem>>
      %dma_wait3A_341 = tpu.memref_squeeze %dma_wait3A_340 : memref<1x112x128xf32, #tpu.memory_space<vmem>> -> memref<112x128xf32, #tpu.memory_space<vmem>>
      tpu.wait_dma2 semaphore(%run_scoped3A_317 : memref<!tpu.dma_semaphore, #tpu.memory_space<semaphore_mem>>) src(%dma_wait3A_341 : memref<112x128xf32, #tpu.memory_space<vmem>>) dst(%dma_wait3A_337 : memref<112x128xf32, #tpu.memory_space<hbm>>)
      tpu.yield
    }) : () -> ()
    %dma_start3A_200 = arith.constant 1 : i32
    %dma_start3A_201 = arith.constant 0 : i32
    %dma_start3A_202 = arith.constant 0 : i32
    %dma_start3A_203 = tpu.memref_slice %arg6[%dma_start3A_200, %dma_start3A_201, %dma_start3A_202] : memref<2x112x128xf32, #tpu.memory_space<vmem>> -> memref<1x112x128xf32, #tpu.memory_space<vmem>>
    %dma_start3A_204 = tpu.memref_squeeze %dma_start3A_203 : memref<1x112x128xf32, #tpu.memory_space<vmem>> -> memref<112x128xf32, #tpu.memory_space<vmem>>
    %dma_start3A_205 = arith.constant 1008 : i32
    %dma_start3A_206 = tpu.memref_slice %arg5[%dma_start3A_205] : memref<1568xi32, #tpu.memory_space<vmem>> -> memref<112xi32, #tpu.memory_space<vmem>>
    %dma_start3A_207 = arith.constant 0 : i32
    %dma_start3A_208 = arith.constant 0 : i32
    %dma_start3A_209 = tpu.memref_slice %arg2[%dma_start3A_207, %dma_start3A_208] : memref<4096x128xf32, #tpu.memory_space<hbm>> -> memref<4096x128xf32, #tpu.memory_space<hbm>>
    tpu.enqueue_indirect_dma source(%dma_start3A_209 : memref<4096x128xf32, #tpu.memory_space<hbm>>) target(%dma_start3A_204 : memref<112x128xf32, #tpu.memory_space<vmem>>) offsets(%dma_start3A_206 : memref<112xi32, #tpu.memory_space<vmem>>) semaphore(%arg8 : memref<!tpu.dma_semaphore, #tpu.memory_space<semaphore_mem>>)
    %dma_wait3A_210 = arith.constant 0 : i32
    %dma_wait3A_211 = arith.constant 0 : i32
    %dma_wait3A_212 = arith.constant 0 : i32
    %dma_wait3A_213 = tpu.memref_slice %arg6[%dma_wait3A_210, %dma_wait3A_211, %dma_wait3A_212] : memref<2x112x128xf32, #tpu.memory_space<vmem>> -> memref<1x112x128xf32, #tpu.memory_space<vmem>>
    %dma_wait3A_214 = tpu.memref_squeeze %dma_wait3A_213 : memref<1x112x128xf32, #tpu.memory_space<vmem>> -> memref<112x128xf32, #tpu.memory_space<vmem>>
    %dma_wait3A_215 = arith.constant 896 : i32
    %dma_wait3A_216 = tpu.memref_slice %arg5[%dma_wait3A_215] : memref<1568xi32, #tpu.memory_space<vmem>> -> memref<112xi32, #tpu.memory_space<vmem>>
    %dma_wait3A_217 = arith.constant 0 : i32
    %dma_wait3A_218 = arith.constant 0 : i32
    %dma_wait3A_219 = tpu.memref_slice %arg2[%dma_wait3A_217, %dma_wait3A_218] : memref<4096x128xf32, #tpu.memory_space<hbm>> -> memref<4096x128xf32, #tpu.memory_space<hbm>>
    tpu.wait_indirect_dma semaphore(%arg7 : memref<!tpu.dma_semaphore, #tpu.memory_space<semaphore_mem>>) src(%dma_wait3A_219 : memref<4096x128xf32, #tpu.memory_space<hbm>>) dst(%dma_wait3A_214 : memref<112x128xf32, #tpu.memory_space<vmem>>)
    %add3A_220 = arith.constant 896 : i32
    %add3A_221 = arith.addi %mul3A_2, %add3A_220 : i32
    %run_scoped3A_222 = arith.constant 0 : i32
    "tpu.region"() ({
      %run_scoped3A_317 = tpu.sem_alloc : memref<!tpu.dma_semaphore, #tpu.memory_space<semaphore_mem>>
      %dma_start3A_318 = arith.constant 0 : i32
      %dma_start3A_319 = arith.constant 0 : i32
      %dma_start3A_320 = tpu.memref_slice %arg6[%run_scoped3A_222, %dma_start3A_318, %dma_start3A_319] : memref<2x112x128xf32, #tpu.memory_space<vmem>> -> memref<1x112x128xf32, #tpu.memory_space<vmem>>
      %dma_start3A_321 = tpu.memref_squeeze %dma_start3A_320 : memref<1x112x128xf32, #tpu.memory_space<vmem>> -> memref<112x128xf32, #tpu.memory_space<vmem>>
      %dma_start3A_322 = arith.constant 0 : i32
      %dma_start3A_323 = tpu.memref_slice %arg4[%add3A_221, %dma_start3A_322] : memref<50000x128xf32, #tpu.memory_space<hbm>> -> memref<112x128xf32, #tpu.memory_space<hbm>>
      %dma_start3A_324 = arith.constant 0 : i32
      %dma_start3A_325 = tpu.memref_slice %arg4[%add3A_221, %dma_start3A_324] : memref<50000x128xf32, #tpu.memory_space<hbm>> -> memref<112x128xf32, #tpu.memory_space<hbm>>
      %dma_start3A_326 = arith.constant 0 : i32
      %dma_start3A_327 = arith.constant 0 : i32
      %dma_start3A_328 = tpu.memref_slice %arg6[%run_scoped3A_222, %dma_start3A_326, %dma_start3A_327] : memref<2x112x128xf32, #tpu.memory_space<vmem>> -> memref<1x112x128xf32, #tpu.memory_space<vmem>>
      %dma_start3A_329 = tpu.memref_squeeze %dma_start3A_328 : memref<1x112x128xf32, #tpu.memory_space<vmem>> -> memref<112x128xf32, #tpu.memory_space<vmem>>
      tpu.enqueue_dma source(%dma_start3A_329 : memref<112x128xf32, #tpu.memory_space<vmem>>) target(%dma_start3A_325 : memref<112x128xf32, #tpu.memory_space<hbm>>) target_semaphore(%run_scoped3A_317 : memref<!tpu.dma_semaphore, #tpu.memory_space<semaphore_mem>>)
      %dma_wait3A_330 = arith.constant 0 : i32
      %dma_wait3A_331 = arith.constant 0 : i32
      %dma_wait3A_332 = tpu.memref_slice %arg6[%run_scoped3A_222, %dma_wait3A_330, %dma_wait3A_331] : memref<2x112x128xf32, #tpu.memory_space<vmem>> -> memref<1x112x128xf32, #tpu.memory_space<vmem>>
      %dma_wait3A_333 = tpu.memref_squeeze %dma_wait3A_332 : memref<1x112x128xf32, #tpu.memory_space<vmem>> -> memref<112x128xf32, #tpu.memory_space<vmem>>
      %dma_wait3A_334 = arith.constant 0 : i32
      %dma_wait3A_335 = tpu.memref_slice %arg4[%add3A_221, %dma_wait3A_334] : memref<50000x128xf32, #tpu.memory_space<hbm>> -> memref<112x128xf32, #tpu.memory_space<hbm>>
      %dma_wait3A_336 = arith.constant 0 : i32
      %dma_wait3A_337 = tpu.memref_slice %arg4[%add3A_221, %dma_wait3A_336] : memref<50000x128xf32, #tpu.memory_space<hbm>> -> memref<112x128xf32, #tpu.memory_space<hbm>>
      %dma_wait3A_338 = arith.constant 0 : i32
      %dma_wait3A_339 = arith.constant 0 : i32
      %dma_wait3A_340 = tpu.memref_slice %arg6[%run_scoped3A_222, %dma_wait3A_338, %dma_wait3A_339] : memref<2x112x128xf32, #tpu.memory_space<vmem>> -> memref<1x112x128xf32, #tpu.memory_space<vmem>>
      %dma_wait3A_341 = tpu.memref_squeeze %dma_wait3A_340 : memref<1x112x128xf32, #tpu.memory_space<vmem>> -> memref<112x128xf32, #tpu.memory_space<vmem>>
      tpu.wait_dma2 semaphore(%run_scoped3A_317 : memref<!tpu.dma_semaphore, #tpu.memory_space<semaphore_mem>>) src(%dma_wait3A_341 : memref<112x128xf32, #tpu.memory_space<vmem>>) dst(%dma_wait3A_337 : memref<112x128xf32, #tpu.memory_space<hbm>>)
      tpu.yield
    }) : () -> ()
    %dma_start3A_223 = arith.constant 0 : i32
    %dma_start3A_224 = arith.constant 0 : i32
    %dma_start3A_225 = arith.constant 0 : i32
    %dma_start3A_226 = tpu.memref_slice %arg6[%dma_start3A_223, %dma_start3A_224, %dma_start3A_225] : memref<2x112x128xf32, #tpu.memory_space<vmem>> -> memref<1x112x128xf32, #tpu.memory_space<vmem>>
    %dma_start3A_227 = tpu.memref_squeeze %dma_start3A_226 : memref<1x112x128xf32, #tpu.memory_space<vmem>> -> memref<112x128xf32, #tpu.memory_space<vmem>>
    %dma_start3A_228 = arith.constant 1120 : i32
    %dma_start3A_229 = tpu.memref_slice %arg5[%dma_start3A_228] : memref<1568xi32, #tpu.memory_space<vmem>> -> memref<112xi32, #tpu.memory_space<vmem>>
    %dma_start3A_230 = arith.constant 0 : i32
    %dma_start3A_231 = arith.constant 0 : i32
    %dma_start3A_232 = tpu.memref_slice %arg2[%dma_start3A_230, %dma_start3A_231] : memref<4096x128xf32, #tpu.memory_space<hbm>> -> memref<4096x128xf32, #tpu.memory_space<hbm>>
    tpu.enqueue_indirect_dma source(%dma_start3A_232 : memref<4096x128xf32, #tpu.memory_space<hbm>>) target(%dma_start3A_227 : memref<112x128xf32, #tpu.memory_space<vmem>>) offsets(%dma_start3A_229 : memref<112xi32, #tpu.memory_space<vmem>>) semaphore(%arg7 : memref<!tpu.dma_semaphore, #tpu.memory_space<semaphore_mem>>)
    %dma_wait3A_233 = arith.constant 1 : i32
    %dma_wait3A_234 = arith.constant 0 : i32
    %dma_wait3A_235 = arith.constant 0 : i32
    %dma_wait3A_236 = tpu.memref_slice %arg6[%dma_wait3A_233, %dma_wait3A_234, %dma_wait3A_235] : memref<2x112x128xf32, #tpu.memory_space<vmem>> -> memref<1x112x128xf32, #tpu.memory_space<vmem>>
    %dma_wait3A_237 = tpu.memref_squeeze %dma_wait3A_236 : memref<1x112x128xf32, #tpu.memory_space<vmem>> -> memref<112x128xf32, #tpu.memory_space<vmem>>
    %dma_wait3A_238 = arith.constant 1008 : i32
    %dma_wait3A_239 = tpu.memref_slice %arg5[%dma_wait3A_238] : memref<1568xi32, #tpu.memory_space<vmem>> -> memref<112xi32, #tpu.memory_space<vmem>>
    %dma_wait3A_240 = arith.constant 0 : i32
    %dma_wait3A_241 = arith.constant 0 : i32
    %dma_wait3A_242 = tpu.memref_slice %arg2[%dma_wait3A_240, %dma_wait3A_241] : memref<4096x128xf32, #tpu.memory_space<hbm>> -> memref<4096x128xf32, #tpu.memory_space<hbm>>
    tpu.wait_indirect_dma semaphore(%arg8 : memref<!tpu.dma_semaphore, #tpu.memory_space<semaphore_mem>>) src(%dma_wait3A_242 : memref<4096x128xf32, #tpu.memory_space<hbm>>) dst(%dma_wait3A_237 : memref<112x128xf32, #tpu.memory_space<vmem>>)
    %add3A_243 = arith.constant 1008 : i32
    %add3A_244 = arith.addi %mul3A_2, %add3A_243 : i32
    %run_scoped3A_245 = arith.constant 1 : i32
    "tpu.region"() ({
      %run_scoped3A_317 = tpu.sem_alloc : memref<!tpu.dma_semaphore, #tpu.memory_space<semaphore_mem>>
      %dma_start3A_318 = arith.constant 0 : i32
      %dma_start3A_319 = arith.constant 0 : i32
      %dma_start3A_320 = tpu.memref_slice %arg6[%run_scoped3A_245, %dma_start3A_318, %dma_start3A_319] : memref<2x112x128xf32, #tpu.memory_space<vmem>> -> memref<1x112x128xf32, #tpu.memory_space<vmem>>
      %dma_start3A_321 = tpu.memref_squeeze %dma_start3A_320 : memref<1x112x128xf32, #tpu.memory_space<vmem>> -> memref<112x128xf32, #tpu.memory_space<vmem>>
      %dma_start3A_322 = arith.constant 0 : i32
      %dma_start3A_323 = tpu.memref_slice %arg4[%add3A_244, %dma_start3A_322] : memref<50000x128xf32, #tpu.memory_space<hbm>> -> memref<112x128xf32, #tpu.memory_space<hbm>>
      %dma_start3A_324 = arith.constant 0 : i32
      %dma_start3A_325 = tpu.memref_slice %arg4[%add3A_244, %dma_start3A_324] : memref<50000x128xf32, #tpu.memory_space<hbm>> -> memref<112x128xf32, #tpu.memory_space<hbm>>
      %dma_start3A_326 = arith.constant 0 : i32
      %dma_start3A_327 = arith.constant 0 : i32
      %dma_start3A_328 = tpu.memref_slice %arg6[%run_scoped3A_245, %dma_start3A_326, %dma_start3A_327] : memref<2x112x128xf32, #tpu.memory_space<vmem>> -> memref<1x112x128xf32, #tpu.memory_space<vmem>>
      %dma_start3A_329 = tpu.memref_squeeze %dma_start3A_328 : memref<1x112x128xf32, #tpu.memory_space<vmem>> -> memref<112x128xf32, #tpu.memory_space<vmem>>
      tpu.enqueue_dma source(%dma_start3A_329 : memref<112x128xf32, #tpu.memory_space<vmem>>) target(%dma_start3A_325 : memref<112x128xf32, #tpu.memory_space<hbm>>) target_semaphore(%run_scoped3A_317 : memref<!tpu.dma_semaphore, #tpu.memory_space<semaphore_mem>>)
      %dma_wait3A_330 = arith.constant 0 : i32
      %dma_wait3A_331 = arith.constant 0 : i32
      %dma_wait3A_332 = tpu.memref_slice %arg6[%run_scoped3A_245, %dma_wait3A_330, %dma_wait3A_331] : memref<2x112x128xf32, #tpu.memory_space<vmem>> -> memref<1x112x128xf32, #tpu.memory_space<vmem>>
      %dma_wait3A_333 = tpu.memref_squeeze %dma_wait3A_332 : memref<1x112x128xf32, #tpu.memory_space<vmem>> -> memref<112x128xf32, #tpu.memory_space<vmem>>
      %dma_wait3A_334 = arith.constant 0 : i32
      %dma_wait3A_335 = tpu.memref_slice %arg4[%add3A_244, %dma_wait3A_334] : memref<50000x128xf32, #tpu.memory_space<hbm>> -> memref<112x128xf32, #tpu.memory_space<hbm>>
      %dma_wait3A_336 = arith.constant 0 : i32
      %dma_wait3A_337 = tpu.memref_slice %arg4[%add3A_244, %dma_wait3A_336] : memref<50000x128xf32, #tpu.memory_space<hbm>> -> memref<112x128xf32, #tpu.memory_space<hbm>>
      %dma_wait3A_338 = arith.constant 0 : i32
      %dma_wait3A_339 = arith.constant 0 : i32
      %dma_wait3A_340 = tpu.memref_slice %arg6[%run_scoped3A_245, %dma_wait3A_338, %dma_wait3A_339] : memref<2x112x128xf32, #tpu.memory_space<vmem>> -> memref<1x112x128xf32, #tpu.memory_space<vmem>>
      %dma_wait3A_341 = tpu.memref_squeeze %dma_wait3A_340 : memref<1x112x128xf32, #tpu.memory_space<vmem>> -> memref<112x128xf32, #tpu.memory_space<vmem>>
      tpu.wait_dma2 semaphore(%run_scoped3A_317 : memref<!tpu.dma_semaphore, #tpu.memory_space<semaphore_mem>>) src(%dma_wait3A_341 : memref<112x128xf32, #tpu.memory_space<vmem>>) dst(%dma_wait3A_337 : memref<112x128xf32, #tpu.memory_space<hbm>>)
      tpu.yield
    }) : () -> ()
    %dma_start3A_246 = arith.constant 1 : i32
    %dma_start3A_247 = arith.constant 0 : i32
    %dma_start3A_248 = arith.constant 0 : i32
    %dma_start3A_249 = tpu.memref_slice %arg6[%dma_start3A_246, %dma_start3A_247, %dma_start3A_248] : memref<2x112x128xf32, #tpu.memory_space<vmem>> -> memref<1x112x128xf32, #tpu.memory_space<vmem>>
    %dma_start3A_250 = tpu.memref_squeeze %dma_start3A_249 : memref<1x112x128xf32, #tpu.memory_space<vmem>> -> memref<112x128xf32, #tpu.memory_space<vmem>>
    %dma_start3A_251 = arith.constant 1232 : i32
    %dma_start3A_252 = tpu.memref_slice %arg5[%dma_start3A_251] : memref<1568xi32, #tpu.memory_space<vmem>> -> memref<112xi32, #tpu.memory_space<vmem>>
    %dma_start3A_253 = arith.constant 0 : i32
    %dma_start3A_254 = arith.constant 0 : i32
    %dma_start3A_255 = tpu.memref_slice %arg2[%dma_start3A_253, %dma_start3A_254] : memref<4096x128xf32, #tpu.memory_space<hbm>> -> memref<4096x128xf32, #tpu.memory_space<hbm>>
    tpu.enqueue_indirect_dma source(%dma_start3A_255 : memref<4096x128xf32, #tpu.memory_space<hbm>>) target(%dma_start3A_250 : memref<112x128xf32, #tpu.memory_space<vmem>>) offsets(%dma_start3A_252 : memref<112xi32, #tpu.memory_space<vmem>>) semaphore(%arg8 : memref<!tpu.dma_semaphore, #tpu.memory_space<semaphore_mem>>)
    %dma_wait3A_256 = arith.constant 0 : i32
    %dma_wait3A_257 = arith.constant 0 : i32
    %dma_wait3A_258 = arith.constant 0 : i32
    %dma_wait3A_259 = tpu.memref_slice %arg6[%dma_wait3A_256, %dma_wait3A_257, %dma_wait3A_258] : memref<2x112x128xf32, #tpu.memory_space<vmem>> -> memref<1x112x128xf32, #tpu.memory_space<vmem>>
    %dma_wait3A_260 = tpu.memref_squeeze %dma_wait3A_259 : memref<1x112x128xf32, #tpu.memory_space<vmem>> -> memref<112x128xf32, #tpu.memory_space<vmem>>
    %dma_wait3A_261 = arith.constant 1120 : i32
    %dma_wait3A_262 = tpu.memref_slice %arg5[%dma_wait3A_261] : memref<1568xi32, #tpu.memory_space<vmem>> -> memref<112xi32, #tpu.memory_space<vmem>>
    %dma_wait3A_263 = arith.constant 0 : i32
    %dma_wait3A_264 = arith.constant 0 : i32
    %dma_wait3A_265 = tpu.memref_slice %arg2[%dma_wait3A_263, %dma_wait3A_264] : memref<4096x128xf32, #tpu.memory_space<hbm>> -> memref<4096x128xf32, #tpu.memory_space<hbm>>
    tpu.wait_indirect_dma semaphore(%arg7 : memref<!tpu.dma_semaphore, #tpu.memory_space<semaphore_mem>>) src(%dma_wait3A_265 : memref<4096x128xf32, #tpu.memory_space<hbm>>) dst(%dma_wait3A_260 : memref<112x128xf32, #tpu.memory_space<vmem>>)
    %add3A_266 = arith.constant 1120 : i32
    %add3A_267 = arith.addi %mul3A_2, %add3A_266 : i32
    %run_scoped3A_268 = arith.constant 0 : i32
    "tpu.region"() ({
      %run_scoped3A_317 = tpu.sem_alloc : memref<!tpu.dma_semaphore, #tpu.memory_space<semaphore_mem>>
      %dma_start3A_318 = arith.constant 0 : i32
      %dma_start3A_319 = arith.constant 0 : i32
      %dma_start3A_320 = tpu.memref_slice %arg6[%run_scoped3A_268, %dma_start3A_318, %dma_start3A_319] : memref<2x112x128xf32, #tpu.memory_space<vmem>> -> memref<1x112x128xf32, #tpu.memory_space<vmem>>
      %dma_start3A_321 = tpu.memref_squeeze %dma_start3A_320 : memref<1x112x128xf32, #tpu.memory_space<vmem>> -> memref<112x128xf32, #tpu.memory_space<vmem>>
      %dma_start3A_322 = arith.constant 0 : i32
      %dma_start3A_323 = tpu.memref_slice %arg4[%add3A_267, %dma_start3A_322] : memref<50000x128xf32, #tpu.memory_space<hbm>> -> memref<112x128xf32, #tpu.memory_space<hbm>>
      %dma_start3A_324 = arith.constant 0 : i32
      %dma_start3A_325 = tpu.memref_slice %arg4[%add3A_267, %dma_start3A_324] : memref<50000x128xf32, #tpu.memory_space<hbm>> -> memref<112x128xf32, #tpu.memory_space<hbm>>
      %dma_start3A_326 = arith.constant 0 : i32
      %dma_start3A_327 = arith.constant 0 : i32
      %dma_start3A_328 = tpu.memref_slice %arg6[%run_scoped3A_268, %dma_start3A_326, %dma_start3A_327] : memref<2x112x128xf32, #tpu.memory_space<vmem>> -> memref<1x112x128xf32, #tpu.memory_space<vmem>>
      %dma_start3A_329 = tpu.memref_squeeze %dma_start3A_328 : memref<1x112x128xf32, #tpu.memory_space<vmem>> -> memref<112x128xf32, #tpu.memory_space<vmem>>
      tpu.enqueue_dma source(%dma_start3A_329 : memref<112x128xf32, #tpu.memory_space<vmem>>) target(%dma_start3A_325 : memref<112x128xf32, #tpu.memory_space<hbm>>) target_semaphore(%run_scoped3A_317 : memref<!tpu.dma_semaphore, #tpu.memory_space<semaphore_mem>>)
      %dma_wait3A_330 = arith.constant 0 : i32
      %dma_wait3A_331 = arith.constant 0 : i32
      %dma_wait3A_332 = tpu.memref_slice %arg6[%run_scoped3A_268, %dma_wait3A_330, %dma_wait3A_331] : memref<2x112x128xf32, #tpu.memory_space<vmem>> -> memref<1x112x128xf32, #tpu.memory_space<vmem>>
      %dma_wait3A_333 = tpu.memref_squeeze %dma_wait3A_332 : memref<1x112x128xf32, #tpu.memory_space<vmem>> -> memref<112x128xf32, #tpu.memory_space<vmem>>
      %dma_wait3A_334 = arith.constant 0 : i32
      %dma_wait3A_335 = tpu.memref_slice %arg4[%add3A_267, %dma_wait3A_334] : memref<50000x128xf32, #tpu.memory_space<hbm>> -> memref<112x128xf32, #tpu.memory_space<hbm>>
      %dma_wait3A_336 = arith.constant 0 : i32
      %dma_wait3A_337 = tpu.memref_slice %arg4[%add3A_267, %dma_wait3A_336] : memref<50000x128xf32, #tpu.memory_space<hbm>> -> memref<112x128xf32, #tpu.memory_space<hbm>>
      %dma_wait3A_338 = arith.constant 0 : i32
      %dma_wait3A_339 = arith.constant 0 : i32
      %dma_wait3A_340 = tpu.memref_slice %arg6[%run_scoped3A_268, %dma_wait3A_338, %dma_wait3A_339] : memref<2x112x128xf32, #tpu.memory_space<vmem>> -> memref<1x112x128xf32, #tpu.memory_space<vmem>>
      %dma_wait3A_341 = tpu.memref_squeeze %dma_wait3A_340 : memref<1x112x128xf32, #tpu.memory_space<vmem>> -> memref<112x128xf32, #tpu.memory_space<vmem>>
      tpu.wait_dma2 semaphore(%run_scoped3A_317 : memref<!tpu.dma_semaphore, #tpu.memory_space<semaphore_mem>>) src(%dma_wait3A_341 : memref<112x128xf32, #tpu.memory_space<vmem>>) dst(%dma_wait3A_337 : memref<112x128xf32, #tpu.memory_space<hbm>>)
      tpu.yield
    }) : () -> ()
    %not3A_269 = arith.constant true
    %not3A_270 = arith.xori %eq3A_3, %not3A_269 : i1
    %convert_element_type3A_271 = arith.extui %not3A_270 : i1 to i32
    %cond3A_272 = arith.constant 0 : i32
    %cond3A_273 = arith.constant 0 : i32
    %cond3A_274 = arith.cmpi ne, %convert_element_type3A_271, %cond3A_273 : i32
    scf.if %cond3A_274 {
      %dma_start3A_317 = arith.constant 0 : i32
      %dma_start3A_318 = arith.constant 0 : i32
      %dma_start3A_319 = tpu.memref_slice %arg6[%cond3A_272, %dma_start3A_317, %dma_start3A_318] : memref<2x112x128xf32, #tpu.memory_space<vmem>> -> memref<1x112x128xf32, #tpu.memory_space<vmem>>
      %dma_start3A_320 = tpu.memref_squeeze %dma_start3A_319 : memref<1x112x128xf32, #tpu.memory_space<vmem>> -> memref<112x128xf32, #tpu.memory_space<vmem>>
      %dma_start3A_321 = arith.constant 1344 : i32
      %dma_start3A_322 = tpu.memref_slice %arg5[%dma_start3A_321] : memref<1568xi32, #tpu.memory_space<vmem>> -> memref<112xi32, #tpu.memory_space<vmem>>
      %dma_start3A_323 = arith.constant 0 : i32
      %dma_start3A_324 = arith.constant 0 : i32
      %dma_start3A_325 = tpu.memref_slice %arg2[%dma_start3A_323, %dma_start3A_324] : memref<4096x128xf32, #tpu.memory_space<hbm>> -> memref<4096x128xf32, #tpu.memory_space<hbm>>
      tpu.enqueue_indirect_dma source(%dma_start3A_325 : memref<4096x128xf32, #tpu.memory_space<hbm>>) target(%dma_start3A_320 : memref<112x128xf32, #tpu.memory_space<vmem>>) offsets(%dma_start3A_322 : memref<112xi32, #tpu.memory_space<vmem>>) semaphore(%arg7 : memref<!tpu.dma_semaphore, #tpu.memory_space<semaphore_mem>>)
    } else {
    }
    %convert_element_type3A_275 = arith.extui %eq3A_3 : i1 to i32
    %cond3A_276 = arith.constant 0 : i32
    %cond3A_277 = arith.constant 0 : i32
    %cond3A_278 = arith.cmpi ne, %convert_element_type3A_275, %cond3A_277 : i32
    scf.if %cond3A_278 {
      %dma_start3A_317 = arith.constant 0 : i32
      %dma_start3A_318 = arith.constant 0 : i32
      %dma_start3A_319 = tpu.memref_slice %arg6[%cond3A_276, %dma_start3A_317, %dma_start3A_318] : memref<2x112x128xf32, #tpu.memory_space<vmem>> -> memref<1x112x128xf32, #tpu.memory_space<vmem>>
      %dma_start3A_320 = tpu.memref_squeeze %dma_start3A_319 : memref<1x112x128xf32, #tpu.memory_space<vmem>> -> memref<112x128xf32, #tpu.memory_space<vmem>>
      %dma_start3A_321 = arith.constant 0 : i32
      %dma_start3A_322 = arith.constant 0 : i32
      %dma_start3A_323 = tpu.memref_slice %dma_start3A_320[%dma_start3A_321, %dma_start3A_322] : memref<112x128xf32, #tpu.memory_space<vmem>> -> memref<48x128xf32, #tpu.memory_space<vmem>>
      %dma_start3A_324 = arith.constant 1344 : i32
      %dma_start3A_325 = tpu.memref_slice %arg5[%dma_start3A_324] : memref<1568xi32, #tpu.memory_space<vmem>> -> memref<48xi32, #tpu.memory_space<vmem>>
      %dma_start3A_326 = arith.constant 0 : i32
      %dma_start3A_327 = arith.constant 0 : i32
      %dma_start3A_328 = tpu.memref_slice %arg2[%dma_start3A_326, %dma_start3A_327] : memref<4096x128xf32, #tpu.memory_space<hbm>> -> memref<4096x128xf32, #tpu.memory_space<hbm>>
      tpu.enqueue_indirect_dma source(%dma_start3A_328 : memref<4096x128xf32, #tpu.memory_space<hbm>>) target(%dma_start3A_323 : memref<48x128xf32, #tpu.memory_space<vmem>>) offsets(%dma_start3A_325 : memref<48xi32, #tpu.memory_space<vmem>>) semaphore(%arg7 : memref<!tpu.dma_semaphore, #tpu.memory_space<semaphore_mem>>)
    } else {
    }
    %dma_wait3A_279 = arith.constant 1 : i32
    %dma_wait3A_280 = arith.constant 0 : i32
    %dma_wait3A_281 = arith.constant 0 : i32
    %dma_wait3A_282 = tpu.memref_slice %arg6[%dma_wait3A_279, %dma_wait3A_280, %dma_wait3A_281] : memref<2x112x128xf32, #tpu.memory_space<vmem>> -> memref<1x112x128xf32, #tpu.memory_space<vmem>>
    %dma_wait3A_283 = tpu.memref_squeeze %dma_wait3A_282 : memref<1x112x128xf32, #tpu.memory_space<vmem>> -> memref<112x128xf32, #tpu.memory_space<vmem>>
    %dma_wait3A_284 = arith.constant 1232 : i32
    %dma_wait3A_285 = tpu.memref_slice %arg5[%dma_wait3A_284] : memref<1568xi32, #tpu.memory_space<vmem>> -> memref<112xi32, #tpu.memory_space<vmem>>
    %dma_wait3A_286 = arith.constant 0 : i32
    %dma_wait3A_287 = arith.constant 0 : i32
    %dma_wait3A_288 = tpu.memref_slice %arg2[%dma_wait3A_286, %dma_wait3A_287] : memref<4096x128xf32, #tpu.memory_space<hbm>> -> memref<4096x128xf32, #tpu.memory_space<hbm>>
    tpu.wait_indirect_dma semaphore(%arg8 : memref<!tpu.dma_semaphore, #tpu.memory_space<semaphore_mem>>) src(%dma_wait3A_288 : memref<4096x128xf32, #tpu.memory_space<hbm>>) dst(%dma_wait3A_283 : memref<112x128xf32, #tpu.memory_space<vmem>>)
    %add3A_289 = arith.constant 1232 : i32
    %add3A_290 = arith.addi %mul3A_2, %add3A_289 : i32
    %run_scoped3A_291 = arith.constant 1 : i32
    "tpu.region"() ({
      %run_scoped3A_317 = tpu.sem_alloc : memref<!tpu.dma_semaphore, #tpu.memory_space<semaphore_mem>>
      %dma_start3A_318 = arith.constant 0 : i32
      %dma_start3A_319 = arith.constant 0 : i32
      %dma_start3A_320 = tpu.memref_slice %arg6[%run_scoped3A_291, %dma_start3A_318, %dma_start3A_319] : memref<2x112x128xf32, #tpu.memory_space<vmem>> -> memref<1x112x128xf32, #tpu.memory_space<vmem>>
      %dma_start3A_321 = tpu.memref_squeeze %dma_start3A_320 : memref<1x112x128xf32, #tpu.memory_space<vmem>> -> memref<112x128xf32, #tpu.memory_space<vmem>>
      %dma_start3A_322 = arith.constant 0 : i32
      %dma_start3A_323 = tpu.memref_slice %arg4[%add3A_290, %dma_start3A_322] : memref<50000x128xf32, #tpu.memory_space<hbm>> -> memref<112x128xf32, #tpu.memory_space<hbm>>
      %dma_start3A_324 = arith.constant 0 : i32
      %dma_start3A_325 = tpu.memref_slice %arg4[%add3A_290, %dma_start3A_324] : memref<50000x128xf32, #tpu.memory_space<hbm>> -> memref<112x128xf32, #tpu.memory_space<hbm>>
      %dma_start3A_326 = arith.constant 0 : i32
      %dma_start3A_327 = arith.constant 0 : i32
      %dma_start3A_328 = tpu.memref_slice %arg6[%run_scoped3A_291, %dma_start3A_326, %dma_start3A_327] : memref<2x112x128xf32, #tpu.memory_space<vmem>> -> memref<1x112x128xf32, #tpu.memory_space<vmem>>
      %dma_start3A_329 = tpu.memref_squeeze %dma_start3A_328 : memref<1x112x128xf32, #tpu.memory_space<vmem>> -> memref<112x128xf32, #tpu.memory_space<vmem>>
      tpu.enqueue_dma source(%dma_start3A_329 : memref<112x128xf32, #tpu.memory_space<vmem>>) target(%dma_start3A_325 : memref<112x128xf32, #tpu.memory_space<hbm>>) target_semaphore(%run_scoped3A_317 : memref<!tpu.dma_semaphore, #tpu.memory_space<semaphore_mem>>)
      %dma_wait3A_330 = arith.constant 0 : i32
      %dma_wait3A_331 = arith.constant 0 : i32
      %dma_wait3A_332 = tpu.memref_slice %arg6[%run_scoped3A_291, %dma_wait3A_330, %dma_wait3A_331] : memref<2x112x128xf32, #tpu.memory_space<vmem>> -> memref<1x112x128xf32, #tpu.memory_space<vmem>>
      %dma_wait3A_333 = tpu.memref_squeeze %dma_wait3A_332 : memref<1x112x128xf32, #tpu.memory_space<vmem>> -> memref<112x128xf32, #tpu.memory_space<vmem>>
      %dma_wait3A_334 = arith.constant 0 : i32
      %dma_wait3A_335 = tpu.memref_slice %arg4[%add3A_290, %dma_wait3A_334] : memref<50000x128xf32, #tpu.memory_space<hbm>> -> memref<112x128xf32, #tpu.memory_space<hbm>>
      %dma_wait3A_336 = arith.constant 0 : i32
      %dma_wait3A_337 = tpu.memref_slice %arg4[%add3A_290, %dma_wait3A_336] : memref<50000x128xf32, #tpu.memory_space<hbm>> -> memref<112x128xf32, #tpu.memory_space<hbm>>
      %dma_wait3A_338 = arith.constant 0 : i32
      %dma_wait3A_339 = arith.constant 0 : i32
      %dma_wait3A_340 = tpu.memref_slice %arg6[%run_scoped3A_291, %dma_wait3A_338, %dma_wait3A_339] : memref<2x112x128xf32, #tpu.memory_space<vmem>> -> memref<1x112x128xf32, #tpu.memory_space<vmem>>
      %dma_wait3A_341 = tpu.memref_squeeze %dma_wait3A_340 : memref<1x112x128xf32, #tpu.memory_space<vmem>> -> memref<112x128xf32, #tpu.memory_space<vmem>>
      tpu.wait_dma2 semaphore(%run_scoped3A_317 : memref<!tpu.dma_semaphore, #tpu.memory_space<semaphore_mem>>) src(%dma_wait3A_341 : memref<112x128xf32, #tpu.memory_space<vmem>>) dst(%dma_wait3A_337 : memref<112x128xf32, #tpu.memory_space<hbm>>)
      tpu.yield
    }) : () -> ()
    %not3A_292 = arith.constant true
    %not3A_293 = arith.xori %eq3A_3, %not3A_292 : i1
    %convert_element_type3A_294 = arith.extui %not3A_293 : i1 to i32
    %cond3A_295 = arith.constant 1 : i32
    %cond3A_296 = arith.constant 0 : i32
    %cond3A_297 = arith.cmpi ne, %convert_element_type3A_294, %cond3A_296 : i32
    scf.if %cond3A_297 {
      %dma_start3A_317 = arith.constant 0 : i32
      %dma_start3A_318 = arith.constant 0 : i32
      %dma_start3A_319 = tpu.memref_slice %arg6[%cond3A_295, %dma_start3A_317, %dma_start3A_318] : memref<2x112x128xf32, #tpu.memory_space<vmem>> -> memref<1x112x128xf32, #tpu.memory_space<vmem>>
      %dma_start3A_320 = tpu.memref_squeeze %dma_start3A_319 : memref<1x112x128xf32, #tpu.memory_space<vmem>> -> memref<112x128xf32, #tpu.memory_space<vmem>>
      %dma_start3A_321 = arith.constant 1456 : i32
      %dma_start3A_322 = tpu.memref_slice %arg5[%dma_start3A_321] : memref<1568xi32, #tpu.memory_space<vmem>> -> memref<112xi32, #tpu.memory_space<vmem>>
      %dma_start3A_323 = arith.constant 0 : i32
      %dma_start3A_324 = arith.constant 0 : i32
      %dma_start3A_325 = tpu.memref_slice %arg2[%dma_start3A_323, %dma_start3A_324] : memref<4096x128xf32, #tpu.memory_space<hbm>> -> memref<4096x128xf32, #tpu.memory_space<hbm>>
      tpu.enqueue_indirect_dma source(%dma_start3A_325 : memref<4096x128xf32, #tpu.memory_space<hbm>>) target(%dma_start3A_320 : memref<112x128xf32, #tpu.memory_space<vmem>>) offsets(%dma_start3A_322 : memref<112xi32, #tpu.memory_space<vmem>>) semaphore(%arg8 : memref<!tpu.dma_semaphore, #tpu.memory_space<semaphore_mem>>)
    } else {
    }
    %not3A_298 = arith.constant true
    %not3A_299 = arith.xori %eq3A_3, %not3A_298 : i1
    %convert_element_type3A_300 = arith.extui %not3A_299 : i1 to i32
    %cond3A_301 = arith.constant 0 : i32
    %cond3A_302 = arith.constant 0 : i32
    %cond3A_303 = arith.constant 0 : i32
    %cond3A_304 = arith.cmpi ne, %convert_element_type3A_300, %cond3A_303 : i32
    scf.if %cond3A_304 {
      %dma_wait3A_317 = arith.constant 0 : i32
      %dma_wait3A_318 = arith.constant 0 : i32
      %dma_wait3A_319 = tpu.memref_slice %arg6[%cond3A_301, %dma_wait3A_317, %dma_wait3A_318] : memref<2x112x128xf32, #tpu.memory_space<vmem>> -> memref<1x112x128xf32, #tpu.memory_space<vmem>>
      %dma_wait3A_320 = tpu.memref_squeeze %dma_wait3A_319 : memref<1x112x128xf32, #tpu.memory_space<vmem>> -> memref<112x128xf32, #tpu.memory_space<vmem>>
      %dma_wait3A_321 = arith.constant 1344 : i32
      %dma_wait3A_322 = tpu.memref_slice %arg5[%dma_wait3A_321] : memref<1568xi32, #tpu.memory_space<vmem>> -> memref<112xi32, #tpu.memory_space<vmem>>
      %dma_wait3A_323 = arith.constant 0 : i32
      %dma_wait3A_324 = arith.constant 0 : i32
      %dma_wait3A_325 = tpu.memref_slice %arg2[%dma_wait3A_323, %dma_wait3A_324] : memref<4096x128xf32, #tpu.memory_space<hbm>> -> memref<4096x128xf32, #tpu.memory_space<hbm>>
      tpu.wait_indirect_dma semaphore(%arg7 : memref<!tpu.dma_semaphore, #tpu.memory_space<semaphore_mem>>) src(%dma_wait3A_325 : memref<4096x128xf32, #tpu.memory_space<hbm>>) dst(%dma_wait3A_320 : memref<112x128xf32, #tpu.memory_space<vmem>>)
      %add3A_326 = arith.constant 1344 : i32
      %add3A_327 = arith.addi %mul3A_2, %add3A_326 : i32
      "tpu.region"() ({
        %run_scoped3A_328 = tpu.sem_alloc : memref<!tpu.dma_semaphore, #tpu.memory_space<semaphore_mem>>
        %dma_start3A_329 = arith.constant 0 : i32
        %dma_start3A_330 = arith.constant 0 : i32
        %dma_start3A_331 = tpu.memref_slice %arg6[%cond3A_302, %dma_start3A_329, %dma_start3A_330] : memref<2x112x128xf32, #tpu.memory_space<vmem>> -> memref<1x112x128xf32, #tpu.memory_space<vmem>>
        %dma_start3A_332 = tpu.memref_squeeze %dma_start3A_331 : memref<1x112x128xf32, #tpu.memory_space<vmem>> -> memref<112x128xf32, #tpu.memory_space<vmem>>
        %dma_start3A_333 = arith.constant 0 : i32
        %dma_start3A_334 = tpu.memref_slice %arg4[%add3A_327, %dma_start3A_333] : memref<50000x128xf32, #tpu.memory_space<hbm>> -> memref<112x128xf32, #tpu.memory_space<hbm>>
        %dma_start3A_335 = arith.constant 0 : i32
        %dma_start3A_336 = tpu.memref_slice %arg4[%add3A_327, %dma_start3A_335] : memref<50000x128xf32, #tpu.memory_space<hbm>> -> memref<112x128xf32, #tpu.memory_space<hbm>>
        %dma_start3A_337 = arith.constant 0 : i32
        %dma_start3A_338 = arith.constant 0 : i32
        %dma_start3A_339 = tpu.memref_slice %arg6[%cond3A_302, %dma_start3A_337, %dma_start3A_338] : memref<2x112x128xf32, #tpu.memory_space<vmem>> -> memref<1x112x128xf32, #tpu.memory_space<vmem>>
        %dma_start3A_340 = tpu.memref_squeeze %dma_start3A_339 : memref<1x112x128xf32, #tpu.memory_space<vmem>> -> memref<112x128xf32, #tpu.memory_space<vmem>>
        tpu.enqueue_dma source(%dma_start3A_340 : memref<112x128xf32, #tpu.memory_space<vmem>>) target(%dma_start3A_336 : memref<112x128xf32, #tpu.memory_space<hbm>>) target_semaphore(%run_scoped3A_328 : memref<!tpu.dma_semaphore, #tpu.memory_space<semaphore_mem>>)
        %dma_wait3A_341 = arith.constant 0 : i32
        %dma_wait3A_342 = arith.constant 0 : i32
        %dma_wait3A_343 = tpu.memref_slice %arg6[%cond3A_302, %dma_wait3A_341, %dma_wait3A_342] : memref<2x112x128xf32, #tpu.memory_space<vmem>> -> memref<1x112x128xf32, #tpu.memory_space<vmem>>
        %dma_wait3A_344 = tpu.memref_squeeze %dma_wait3A_343 : memref<1x112x128xf32, #tpu.memory_space<vmem>> -> memref<112x128xf32, #tpu.memory_space<vmem>>
        %dma_wait3A_345 = arith.constant 0 : i32
        %dma_wait3A_346 = tpu.memref_slice %arg4[%add3A_327, %dma_wait3A_345] : memref<50000x128xf32, #tpu.memory_space<hbm>> -> memref<112x128xf32, #tpu.memory_space<hbm>>
        %dma_wait3A_347 = arith.constant 0 : i32
        %dma_wait3A_348 = tpu.memref_slice %arg4[%add3A_327, %dma_wait3A_347] : memref<50000x128xf32, #tpu.memory_space<hbm>> -> memref<112x128xf32, #tpu.memory_space<hbm>>
        %dma_wait3A_349 = arith.constant 0 : i32
        %dma_wait3A_350 = arith.constant 0 : i32
        %dma_wait3A_351 = tpu.memref_slice %arg6[%cond3A_302, %dma_wait3A_349, %dma_wait3A_350] : memref<2x112x128xf32, #tpu.memory_space<vmem>> -> memref<1x112x128xf32, #tpu.memory_space<vmem>>
        %dma_wait3A_352 = tpu.memref_squeeze %dma_wait3A_351 : memref<1x112x128xf32, #tpu.memory_space<vmem>> -> memref<112x128xf32, #tpu.memory_space<vmem>>
        tpu.wait_dma2 semaphore(%run_scoped3A_328 : memref<!tpu.dma_semaphore, #tpu.memory_space<semaphore_mem>>) src(%dma_wait3A_352 : memref<112x128xf32, #tpu.memory_space<vmem>>) dst(%dma_wait3A_348 : memref<112x128xf32, #tpu.memory_space<hbm>>)
        tpu.yield
      }) : () -> ()
    } else {
    }
    %convert_element_type3A_305 = arith.extui %eq3A_3 : i1 to i32
    %cond3A_306 = arith.constant 0 : i32
    %cond3A_307 = arith.constant 0 : i32
    %cond3A_308 = arith.constant 0 : i32
    %cond3A_309 = arith.cmpi ne, %convert_element_type3A_305, %cond3A_308 : i32
    scf.if %cond3A_309 {
      %dma_wait3A_317 = arith.constant 0 : i32
      %dma_wait3A_318 = arith.constant 0 : i32
      %dma_wait3A_319 = tpu.memref_slice %arg6[%cond3A_306, %dma_wait3A_317, %dma_wait3A_318] : memref<2x112x128xf32, #tpu.memory_space<vmem>> -> memref<1x112x128xf32, #tpu.memory_space<vmem>>
      %dma_wait3A_320 = tpu.memref_squeeze %dma_wait3A_319 : memref<1x112x128xf32, #tpu.memory_space<vmem>> -> memref<112x128xf32, #tpu.memory_space<vmem>>
      %dma_wait3A_321 = arith.constant 0 : i32
      %dma_wait3A_322 = arith.constant 0 : i32
      %dma_wait3A_323 = tpu.memref_slice %dma_wait3A_320[%dma_wait3A_321, %dma_wait3A_322] : memref<112x128xf32, #tpu.memory_space<vmem>> -> memref<48x128xf32, #tpu.memory_space<vmem>>
      %dma_wait3A_324 = arith.constant 1344 : i32
      %dma_wait3A_325 = tpu.memref_slice %arg5[%dma_wait3A_324] : memref<1568xi32, #tpu.memory_space<vmem>> -> memref<48xi32, #tpu.memory_space<vmem>>
      %dma_wait3A_326 = arith.constant 0 : i32
      %dma_wait3A_327 = arith.constant 0 : i32
      %dma_wait3A_328 = tpu.memref_slice %arg2[%dma_wait3A_326, %dma_wait3A_327] : memref<4096x128xf32, #tpu.memory_space<hbm>> -> memref<4096x128xf32, #tpu.memory_space<hbm>>
      tpu.wait_indirect_dma semaphore(%arg7 : memref<!tpu.dma_semaphore, #tpu.memory_space<semaphore_mem>>) src(%dma_wait3A_328 : memref<4096x128xf32, #tpu.memory_space<hbm>>) dst(%dma_wait3A_323 : memref<48x128xf32, #tpu.memory_space<vmem>>)
      %add3A_329 = arith.constant 1344 : i32
      %add3A_330 = arith.addi %mul3A_2, %add3A_329 : i32
      "tpu.region"() ({
        %run_scoped3A_331 = tpu.sem_alloc : memref<!tpu.dma_semaphore, #tpu.memory_space<semaphore_mem>>
        %dma_start3A_332 = arith.constant 0 : i32
        %dma_start3A_333 = arith.constant 0 : i32
        %dma_start3A_334 = tpu.memref_slice %arg6[%cond3A_307, %dma_start3A_332, %dma_start3A_333] : memref<2x112x128xf32, #tpu.memory_space<vmem>> -> memref<1x112x128xf32, #tpu.memory_space<vmem>>
        %dma_start3A_335 = tpu.memref_squeeze %dma_start3A_334 : memref<1x112x128xf32, #tpu.memory_space<vmem>> -> memref<112x128xf32, #tpu.memory_space<vmem>>
        %dma_start3A_336 = arith.constant 0 : i32
        %dma_start3A_337 = arith.constant 0 : i32
        %dma_start3A_338 = tpu.memref_slice %dma_start3A_335[%dma_start3A_336, %dma_start3A_337] : memref<112x128xf32, #tpu.memory_space<vmem>> -> memref<48x128xf32, #tpu.memory_space<vmem>>
        %dma_start3A_339 = arith.constant 0 : i32
        %dma_start3A_340 = tpu.memref_slice %arg4[%add3A_330, %dma_start3A_339] : memref<50000x128xf32, #tpu.memory_space<hbm>> -> memref<48x128xf32, #tpu.memory_space<hbm>>
        %dma_start3A_341 = arith.constant 0 : i32
        %dma_start3A_342 = tpu.memref_slice %arg4[%add3A_330, %dma_start3A_341] : memref<50000x128xf32, #tpu.memory_space<hbm>> -> memref<48x128xf32, #tpu.memory_space<hbm>>
        %dma_start3A_343 = arith.constant 0 : i32
        %dma_start3A_344 = arith.constant 0 : i32
        %dma_start3A_345 = tpu.memref_slice %arg6[%cond3A_307, %dma_start3A_343, %dma_start3A_344] : memref<2x112x128xf32, #tpu.memory_space<vmem>> -> memref<1x112x128xf32, #tpu.memory_space<vmem>>
        %dma_start3A_346 = tpu.memref_squeeze %dma_start3A_345 : memref<1x112x128xf32, #tpu.memory_space<vmem>> -> memref<112x128xf32, #tpu.memory_space<vmem>>
        %dma_start3A_347 = arith.constant 0 : i32
        %dma_start3A_348 = arith.constant 0 : i32
        %dma_start3A_349 = tpu.memref_slice %dma_start3A_346[%dma_start3A_347, %dma_start3A_348] : memref<112x128xf32, #tpu.memory_space<vmem>> -> memref<48x128xf32, #tpu.memory_space<vmem>>
        tpu.enqueue_dma source(%dma_start3A_349 : memref<48x128xf32, #tpu.memory_space<vmem>>) target(%dma_start3A_342 : memref<48x128xf32, #tpu.memory_space<hbm>>) target_semaphore(%run_scoped3A_331 : memref<!tpu.dma_semaphore, #tpu.memory_space<semaphore_mem>>)
        %dma_wait3A_350 = arith.constant 0 : i32
        %dma_wait3A_351 = arith.constant 0 : i32
        %dma_wait3A_352 = tpu.memref_slice %arg6[%cond3A_307, %dma_wait3A_350, %dma_wait3A_351] : memref<2x112x128xf32, #tpu.memory_space<vmem>> -> memref<1x112x128xf32, #tpu.memory_space<vmem>>
        %dma_wait3A_353 = tpu.memref_squeeze %dma_wait3A_352 : memref<1x112x128xf32, #tpu.memory_space<vmem>> -> memref<112x128xf32, #tpu.memory_space<vmem>>
        %dma_wait3A_354 = arith.constant 0 : i32
        %dma_wait3A_355 = arith.constant 0 : i32
        %dma_wait3A_356 = tpu.memref_slice %dma_wait3A_353[%dma_wait3A_354, %dma_wait3A_355] : memref<112x128xf32, #tpu.memory_space<vmem>> -> memref<48x128xf32, #tpu.memory_space<vmem>>
        %dma_wait3A_357 = arith.constant 0 : i32
        %dma_wait3A_358 = tpu.memref_slice %arg4[%add3A_330, %dma_wait3A_357] : memref<50000x128xf32, #tpu.memory_space<hbm>> -> memref<48x128xf32, #tpu.memory_space<hbm>>
        %dma_wait3A_359 = arith.constant 0 : i32
        %dma_wait3A_360 = tpu.memref_slice %arg4[%add3A_330, %dma_wait3A_359] : memref<50000x128xf32, #tpu.memory_space<hbm>> -> memref<48x128xf32, #tpu.memory_space<hbm>>
        %dma_wait3A_361 = arith.constant 0 : i32
        %dma_wait3A_362 = arith.constant 0 : i32
        %dma_wait3A_363 = tpu.memref_slice %arg6[%cond3A_307, %dma_wait3A_361, %dma_wait3A_362] : memref<2x112x128xf32, #tpu.memory_space<vmem>> -> memref<1x112x128xf32, #tpu.memory_space<vmem>>
        %dma_wait3A_364 = tpu.memref_squeeze %dma_wait3A_363 : memref<1x112x128xf32, #tpu.memory_space<vmem>> -> memref<112x128xf32, #tpu.memory_space<vmem>>
        %dma_wait3A_365 = arith.constant 0 : i32
        %dma_wait3A_366 = arith.constant 0 : i32
        %dma_wait3A_367 = tpu.memref_slice %dma_wait3A_364[%dma_wait3A_365, %dma_wait3A_366] : memref<112x128xf32, #tpu.memory_space<vmem>> -> memref<48x128xf32, #tpu.memory_space<vmem>>
        tpu.wait_dma2 semaphore(%run_scoped3A_331 : memref<!tpu.dma_semaphore, #tpu.memory_space<semaphore_mem>>) src(%dma_wait3A_367 : memref<48x128xf32, #tpu.memory_space<vmem>>) dst(%dma_wait3A_360 : memref<48x128xf32, #tpu.memory_space<hbm>>)
        tpu.yield
      }) : () -> ()
    } else {
    }
    %not3A_310 = arith.constant true
    %not3A_311 = arith.xori %eq3A_3, %not3A_310 : i1
    %convert_element_type3A_312 = arith.extui %not3A_311 : i1 to i32
    %cond3A_313 = arith.constant 1 : i32
    %cond3A_314 = arith.constant 1 : i32
    %cond3A_315 = arith.constant 0 : i32
    %cond3A_316 = arith.cmpi ne, %convert_element_type3A_312, %cond3A_315 : i32
    scf.if %cond3A_316 {
      %dma_wait3A_317 = arith.constant 0 : i32
      %dma_wait3A_318 = arith.constant 0 : i32
      %dma_wait3A_319 = tpu.memref_slice %arg6[%cond3A_313, %dma_wait3A_317, %dma_wait3A_318] : memref<2x112x128xf32, #tpu.memory_space<vmem>> -> memref<1x112x128xf32, #tpu.memory_space<vmem>>
      %dma_wait3A_320 = tpu.memref_squeeze %dma_wait3A_319 : memref<1x112x128xf32, #tpu.memory_space<vmem>> -> memref<112x128xf32, #tpu.memory_space<vmem>>
      %dma_wait3A_321 = arith.constant 1456 : i32
      %dma_wait3A_322 = tpu.memref_slice %arg5[%dma_wait3A_321] : memref<1568xi32, #tpu.memory_space<vmem>> -> memref<112xi32, #tpu.memory_space<vmem>>
      %dma_wait3A_323 = arith.constant 0 : i32
      %dma_wait3A_324 = arith.constant 0 : i32
      %dma_wait3A_325 = tpu.memref_slice %arg2[%dma_wait3A_323, %dma_wait3A_324] : memref<4096x128xf32, #tpu.memory_space<hbm>> -> memref<4096x128xf32, #tpu.memory_space<hbm>>
      tpu.wait_indirect_dma semaphore(%arg8 : memref<!tpu.dma_semaphore, #tpu.memory_space<semaphore_mem>>) src(%dma_wait3A_325 : memref<4096x128xf32, #tpu.memory_space<hbm>>) dst(%dma_wait3A_320 : memref<112x128xf32, #tpu.memory_space<vmem>>)
      %add3A_326 = arith.constant 1456 : i32
      %add3A_327 = arith.addi %mul3A_2, %add3A_326 : i32
      "tpu.region"() ({
        %run_scoped3A_328 = tpu.sem_alloc : memref<!tpu.dma_semaphore, #tpu.memory_space<semaphore_mem>>
        %dma_start3A_329 = arith.constant 0 : i32
        %dma_start3A_330 = arith.constant 0 : i32
        %dma_start3A_331 = tpu.memref_slice %arg6[%cond3A_314, %dma_start3A_329, %dma_start3A_330] : memref<2x112x128xf32, #tpu.memory_space<vmem>> -> memref<1x112x128xf32, #tpu.memory_space<vmem>>
        %dma_start3A_332 = tpu.memref_squeeze %dma_start3A_331 : memref<1x112x128xf32, #tpu.memory_space<vmem>> -> memref<112x128xf32, #tpu.memory_space<vmem>>
        %dma_start3A_333 = arith.constant 0 : i32
        %dma_start3A_334 = tpu.memref_slice %arg4[%add3A_327, %dma_start3A_333] : memref<50000x128xf32, #tpu.memory_space<hbm>> -> memref<112x128xf32, #tpu.memory_space<hbm>>
        %dma_start3A_335 = arith.constant 0 : i32
        %dma_start3A_336 = tpu.memref_slice %arg4[%add3A_327, %dma_start3A_335] : memref<50000x128xf32, #tpu.memory_space<hbm>> -> memref<112x128xf32, #tpu.memory_space<hbm>>
        %dma_start3A_337 = arith.constant 0 : i32
        %dma_start3A_338 = arith.constant 0 : i32
        %dma_start3A_339 = tpu.memref_slice %arg6[%cond3A_314, %dma_start3A_337, %dma_start3A_338] : memref<2x112x128xf32, #tpu.memory_space<vmem>> -> memref<1x112x128xf32, #tpu.memory_space<vmem>>
        %dma_start3A_340 = tpu.memref_squeeze %dma_start3A_339 : memref<1x112x128xf32, #tpu.memory_space<vmem>> -> memref<112x128xf32, #tpu.memory_space<vmem>>
        tpu.enqueue_dma source(%dma_start3A_340 : memref<112x128xf32, #tpu.memory_space<vmem>>) target(%dma_start3A_336 : memref<112x128xf32, #tpu.memory_space<hbm>>) target_semaphore(%run_scoped3A_328 : memref<!tpu.dma_semaphore, #tpu.memory_space<semaphore_mem>>)
        %dma_wait3A_341 = arith.constant 0 : i32
        %dma_wait3A_342 = arith.constant 0 : i32
        %dma_wait3A_343 = tpu.memref_slice %arg6[%cond3A_314, %dma_wait3A_341, %dma_wait3A_342] : memref<2x112x128xf32, #tpu.memory_space<vmem>> -> memref<1x112x128xf32, #tpu.memory_space<vmem>>
        %dma_wait3A_344 = tpu.memref_squeeze %dma_wait3A_343 : memref<1x112x128xf32, #tpu.memory_space<vmem>> -> memref<112x128xf32, #tpu.memory_space<vmem>>
        %dma_wait3A_345 = arith.constant 0 : i32
        %dma_wait3A_346 = tpu.memref_slice %arg4[%add3A_327, %dma_wait3A_345] : memref<50000x128xf32, #tpu.memory_space<hbm>> -> memref<112x128xf32, #tpu.memory_space<hbm>>
        %dma_wait3A_347 = arith.constant 0 : i32
        %dma_wait3A_348 = tpu.memref_slice %arg4[%add3A_327, %dma_wait3A_347] : memref<50000x128xf32, #tpu.memory_space<hbm>> -> memref<112x128xf32, #tpu.memory_space<hbm>>
        %dma_wait3A_349 = arith.constant 0 : i32
        %dma_wait3A_350 = arith.constant 0 : i32
        %dma_wait3A_351 = tpu.memref_slice %arg6[%cond3A_314, %dma_wait3A_349, %dma_wait3A_350] : memref<2x112x128xf32, #tpu.memory_space<vmem>> -> memref<1x112x128xf32, #tpu.memory_space<vmem>>
        %dma_wait3A_352 = tpu.memref_squeeze %dma_wait3A_351 : memref<1x112x128xf32, #tpu.memory_space<vmem>> -> memref<112x128xf32, #tpu.memory_space<vmem>>
        tpu.wait_dma2 semaphore(%run_scoped3A_328 : memref<!tpu.dma_semaphore, #tpu.memory_space<semaphore_mem>>) src(%dma_wait3A_352 : memref<112x128xf32, #tpu.memory_space<vmem>>) dst(%dma_wait3A_348 : memref<112x128xf32, #tpu.memory_space<hbm>>)
        tpu.yield
      }) : () -> ()
    } else {
    }
    return
  }
}

module attributes {stable_mosaic.version = 14 : i64} {
  func.func @_argmin_ctable_body(%arg0: i32, %arg1: memref<1000x3xf32, #tpu.memory_space<vmem>>, %arg2: memref<3x4096xf32, #tpu.memory_space<vmem>>, %arg3: memref<512x128xf32, #tpu.memory_space<vmem>>, %arg4: memref<512x1xf32, #tpu.memory_space<vmem>>, %arg5: memref<260x128xf32, #tpu.memory_space<vmem>>, %arg6: memref<1x128xf32, #tpu.memory_space<vmem>>, %arg7: memref<1000x1xi32, #tpu.memory_space<vmem>>, %arg8: memref<512x128xf32, #tpu.memory_space<vmem>>) attributes {dimension_semantics = [#tpu.dimension_semantics<arbitrary>], iteration_bounds = array<i64: 50>, scalar_prefetch = 0 : i64, scratch_operands = 0 : i64, tpu.core_type = #tpu.core_type<tc>, window_params = [{transform_indices = @transform_0, window_bounds = array<i64: 1000, 3>}, {pipeline_mode = #tpu.pipeline_mode<synchronous>, transform_indices = @transform_1, window_bounds = array<i64: 3, 4096>}, {transform_indices = @transform_2, window_bounds = array<i64: 512, 128>}, {transform_indices = @transform_3, window_bounds = array<i64: 512, 1>}, {pipeline_mode = #tpu.pipeline_mode<synchronous>, transform_indices = @transform_4, window_bounds = array<i64: 260, 128>}, {pipeline_mode = #tpu.pipeline_mode<synchronous>, transform_indices = @transform_5, window_bounds = array<i64: 1, 128>}, {transform_indices = @transform_6, window_bounds = array<i64: 1000, 1>}, {transform_indices = @transform_7, window_bounds = array<i64: 512, 128>}]} {
    %lt3A = arith.constant 8 : i32
    %lt3A_0 = arith.cmpi slt, %arg0, %lt3A : i32
    %convert_element_type3A = arith.extui %lt3A_0 : i1 to i32
    %cond3A = arith.constant 0 : i32
    %cond3A_1 = arith.cmpi ne, %convert_element_type3A, %cond3A : i32
    scf.if %cond3A_1 {
      %get3A_32 = arith.constant 132 : index
      %get3A_33 = arith.constant 0 : index
      %get3A_34 = vector.load %arg5[%get3A_32, %get3A_33] : memref<260x128xf32, #tpu.memory_space<vmem>>, vector<128x128xf32>
      %get3A_35 = arith.constant 131 : index
      %get3A_36 = arith.constant 0 : index
      %get3A_37 = vector.load %arg5[%get3A_35, %get3A_36] : memref<260x128xf32, #tpu.memory_space<vmem>>, vector<1x128xf32>
      %get3A_38 = arith.constant 0 : index
      %get3A_39 = arith.constant 0 : index
      %get3A_40 = vector.load %arg3[%get3A_38, %get3A_39] : memref<512x128xf32, #tpu.memory_space<vmem>>, vector<512x128xf32>
      %dot_general3A_41 = arith.constant dense<0.000000e+00> : vector<512x128xf32>
      %dot_general3A_42 = tpu.matmul %get3A_40, %get3A_34, %dot_general3A_41 {dimension_numbers = #tpu.dot_dimension_numbers<[1], [0], [0], [1], [0, 0, 1, 1], [], []>, transpose_lhs_hint = false} : vector<512x128xf32>, vector<128x128xf32>, vector<512x128xf32> -> vector<512x128xf32>
      %get3A_43 = arith.constant 0 : index
      %get3A_44 = arith.constant 0 : index
      %get3A_45 = vector.load %arg4[%get3A_43, %get3A_44] : memref<512x1xf32, #tpu.memory_space<vmem>>, vector<512x1xf32>
      %mul3A_46 = vector.broadcast %get3A_45 : vector<512x1xf32> to vector<512x128xf32>
      %mul3A_47 = vector.broadcast %get3A_37 : vector<1x128xf32> to vector<512x128xf32>
      %mul3A_48 = arith.mulf %mul3A_46, %mul3A_47 : vector<512x128xf32>
      %add3A_49 = arith.addf %dot_general3A_42, %mul3A_48 : vector<512x128xf32>
      %get3A_50 = arith.constant 0 : index
      %get3A_51 = arith.constant 0 : index
      %get3A_52 = vector.load %arg6[%get3A_50, %get3A_51] : memref<1x128xf32, #tpu.memory_space<vmem>>, vector<1x128xf32>
      %add3A_53 = vector.broadcast %get3A_52 : vector<1x128xf32> to vector<512x128xf32>
      %add3A_54 = arith.addf %add3A_49, %add3A_53 : vector<512x128xf32>
      %swap3A_55 = arith.constant 0 : index
      %swap3A_56 = arith.constant 0 : index
      %swap3A_57 = vector.load %arg8[%swap3A_55, %swap3A_56] : memref<512x128xf32, #tpu.memory_space<vmem>>, vector<512x128xf32>
      tpu.vector_store %arg8[%swap3A_55, %swap3A_56], %add3A_54 {strides = array<i32>} : memref<512x128xf32, #tpu.memory_space<vmem>>, vector<512x128xf32>,
    } else {
    }
    %get3A = arith.constant 0 : index
    %get3A_2 = arith.constant 0 : index
    %get3A_3 = vector.load %arg1[%get3A, %get3A_2] : memref<1000x3xf32, #tpu.memory_space<vmem>>, vector<1000x3xf32>
    %get3A_4 = arith.constant 0 : index
    %get3A_5 = arith.constant 0 : index
    %get3A_6 = vector.load %arg2[%get3A_4, %get3A_5] : memref<3x4096xf32, #tpu.memory_space<vmem>>, vector<3x4096xf32>
    %mul3A = arith.mulf %get3A_6, %get3A_6 : vector<3x4096xf32>
    %reduce_sum3A = arith.constant dense<0.000000e+00> : vector<4096xf32>
    %reduce_sum3A_7 = vector.multi_reduction <add>, %mul3A, %reduce_sum3A [0] : vector<3x4096xf32> to vector<4096xf32>
    %broadcast_in_dim3A = vector.shape_cast %reduce_sum3A_7 : vector<4096xf32> to vector<1x4096xf32>
    %mul3A_8 = arith.mulf %get3A_3, %get3A_3 : vector<1000x3xf32>
    %reduce_sum3A_9 = arith.constant dense<0.000000e+00> : vector<1000xf32>
    %reduce_sum3A_10 = vector.multi_reduction <add>, %mul3A_8, %reduce_sum3A_9 [1] : vector<1000x3xf32> to vector<1000xf32>
    %broadcast_in_dim3A_11 = vector.shape_cast %reduce_sum3A_10 : vector<1000xf32> to vector<1000x1xf32>
    %mul3A_12 = arith.constant -2.000000e+00 : f32
    %mul3A_13 = vector.broadcast %mul3A_12 : f32 to vector<3x4096xf32>
    %mul3A_14 = arith.mulf %mul3A_13, %get3A_6 : vector<3x4096xf32>
    %dot_general3A = arith.constant dense<0.000000e+00> : vector<1000x4096xf32>
    %dot_general3A_15 = tpu.matmul %get3A_3, %mul3A_14, %dot_general3A {dimension_numbers = #tpu.dot_dimension_numbers<[1], [0], [0], [1], [0, 0, 1, 1], [], []>, transpose_lhs_hint = false} : vector<1000x3xf32>, vector<3x4096xf32>, vector<1000x4096xf32> -> vector<1000x4096xf32>
    %add3A = vector.broadcast %broadcast_in_dim3A_11 : vector<1000x1xf32> to vector<1000x4096xf32>
    %add3A_16 = vector.broadcast %broadcast_in_dim3A : vector<1x4096xf32> to vector<1000x4096xf32>
    %add3A_17 = arith.addf %add3A, %add3A_16 : vector<1000x4096xf32>
    %add3A_18 = arith.addf %add3A_17, %dot_general3A_15 : vector<1000x4096xf32>
    %max3A = arith.constant 0.000000e+00 : f32
    %max3A_19 = vector.broadcast %max3A : f32 to vector<1000x4096xf32>
    %max3A_20 = arith.maximumf %add3A_18, %max3A_19 : vector<1000x4096xf32>
    %reduce_min3A = arith.constant dense<0x7F800000> : vector<1000xf32>
    %reduce_min3A_21 = vector.multi_reduction <minimumf>, %max3A_20, %reduce_min3A [1] : vector<1000x4096xf32> to vector<1000xf32>
    %broadcast_in_dim3A_22 = vector.shape_cast %reduce_min3A_21 : vector<1000xf32> to vector<1000x1xf32>
    %iota3A = tpu.iota {dimensions = array<i32: 1>} : vector<1000x4096xi32>
    %eq3A = vector.broadcast %broadcast_in_dim3A_22 : vector<1000x1xf32> to vector<1000x4096xf32>
    %eq3A_23 = arith.cmpf oeq, %max3A_20, %eq3A : vector<1000x4096xf32>
    %jit3A = arith.constant 4096 : i32
    %broadcast_in_dim3A_24 = vector.broadcast %jit3A : i32 to vector<1000x4096xi32>
    %select_n3A = arith.select %eq3A_23, %iota3A, %broadcast_in_dim3A_24 : vector<1000x4096xi1>, vector<1000x4096xi32>
    %reduce_min3A_25 = arith.constant dense<2147483647> : vector<1000xi32>
    %reduce_min3A_26 = vector.multi_reduction <minsi>, %select_n3A, %reduce_min3A_25 [1] : vector<1000x4096xi32> to vector<1000xi32>
    %broadcast_in_dim3A_27 = vector.shape_cast %reduce_min3A_26 : vector<1000xi32> to vector<1000x1xi32>
    %min3A = arith.constant 4095 : i32
    %min3A_28 = vector.broadcast %min3A : i32 to vector<1000x1xi32>
    %min3A_29 = arith.minsi %broadcast_in_dim3A_27, %min3A_28 : vector<1000x1xi32>
    %swap3A = arith.constant 0 : index
    %swap3A_30 = arith.constant 0 : index
    %swap3A_31 = vector.load %arg7[%swap3A, %swap3A_30] : memref<1000x1xi32, #tpu.memory_space<vmem>>, vector<1000x1xi32>
    tpu.vector_store %arg7[%swap3A, %swap3A_30], %min3A_29 {strides = array<i32>} : memref<1000x1xi32, #tpu.memory_space<vmem>>, vector<1000x1xi32>,
    return
  }
  func.func @transform_0(%arg0: i32) -> (i32, i32) {
    %c0_i32 = arith.constant 0 : i32
    %c0_i32_0 = arith.constant 0 : i32
    return %arg0, %c0_i32 : i32, i32
  }
  func.func @transform_1(%arg0: i32) -> (i32, i32) {
    %c0_i32 = arith.constant 0 : i32
    %c0_i32_0 = arith.constant 0 : i32
    %c0_i32_1 = arith.constant 0 : i32
    return %c0_i32, %c0_i32_0 : i32, i32
  }
  func.func @transform_2(%arg0: i32) -> (i32, i32) {
    %min3A = arith.constant 7 : i32
    %min3A_0 = arith.minsi %arg0, %min3A : i32
    %c0_i32 = arith.constant 0 : i32
    %c0_i32_1 = arith.constant 0 : i32
    return %min3A_0, %c0_i32 : i32, i32
  }
  func.func @transform_3(%arg0: i32) -> (i32, i32) {
    %min3A = arith.constant 7 : i32
    %min3A_0 = arith.minsi %arg0, %min3A : i32
    %c0_i32 = arith.constant 0 : i32
    %c0_i32_1 = arith.constant 0 : i32
    return %min3A_0, %c0_i32 : i32, i32
  }
  func.func @transform_4(%arg0: i32) -> (i32, i32) {
    %c0_i32 = arith.constant 0 : i32
    %c0_i32_0 = arith.constant 0 : i32
    %c0_i32_1 = arith.constant 0 : i32
    return %c0_i32, %c0_i32_0 : i32, i32
  }
  func.func @transform_5(%arg0: i32) -> (i32, i32) {
    %c0_i32 = arith.constant 0 : i32
    %c0_i32_0 = arith.constant 0 : i32
    %c0_i32_1 = arith.constant 0 : i32
    return %c0_i32, %c0_i32_0 : i32, i32
  }
  func.func @transform_6(%arg0: i32) -> (i32, i32) {
    %c0_i32 = arith.constant 0 : i32
    %c0_i32_0 = arith.constant 0 : i32
    return %arg0, %c0_i32 : i32, i32
  }
  func.func @transform_7(%arg0: i32) -> (i32, i32) {
    %min3A = arith.constant 7 : i32
    %min3A_0 = arith.minsi %arg0, %min3A : i32
    %c0_i32 = arith.constant 0 : i32
    %c0_i32_1 = arith.constant 0 : i32
    return %min3A_0, %c0_i32 : i32, i32
  }
}

module attributes {stable_mosaic.version = 14 : i64} {
  func.func @_mlp_body(%arg0: i32, %arg1: memref<1000x131xf32, #tpu.memory_space<vmem>>, %arg2: memref<1000x128xf32, #tpu.memory_space<vmem>>, %arg3: memref<260x128xf32, #tpu.memory_space<vmem>>, %arg4: memref<128x1xf32, #tpu.memory_space<vmem>>, %arg5: memref<1x1xf32, #tpu.memory_space<vmem>>, %arg6: memref<1000x1xf32, #tpu.memory_space<vmem>>) attributes {dimension_semantics = [#tpu.dimension_semantics<arbitrary>], iteration_bounds = array<i64: 50>, scalar_prefetch = 0 : i64, scratch_operands = 0 : i64, tpu.core_type = #tpu.core_type<tc>, window_params = [{transform_indices = @transform_0, window_bounds = array<i64: 1000, 131>}, {transform_indices = @transform_1, window_bounds = array<i64: 1000, 128>}, {pipeline_mode = #tpu.pipeline_mode<synchronous>, transform_indices = @transform_2, window_bounds = array<i64: 260, 128>}, {pipeline_mode = #tpu.pipeline_mode<synchronous>, transform_indices = @transform_3, window_bounds = array<i64: 128, 1>}, {pipeline_mode = #tpu.pipeline_mode<synchronous>, transform_indices = @transform_4, window_bounds = array<i64: 1, 1>}, {transform_indices = @transform_5, window_bounds = array<i64: 1000, 1>}]} {
    %get3A = arith.constant 0 : index
    %get3A_0 = arith.constant 0 : index
    %get3A_1 = vector.load %arg3[%get3A, %get3A_0] : memref<260x128xf32, #tpu.memory_space<vmem>>, vector<131x128xf32>
    %get3A_2 = arith.constant 0 : index
    %get3A_3 = arith.constant 0 : index
    %get3A_4 = vector.load %arg1[%get3A_2, %get3A_3] : memref<1000x131xf32, #tpu.memory_space<vmem>>, vector<1000x131xf32>
    %dot_general3A = arith.constant dense<0.000000e+00> : vector<1000x128xf32>
    %dot_general3A_5 = tpu.matmul %get3A_4, %get3A_1, %dot_general3A {dimension_numbers = #tpu.dot_dimension_numbers<[1], [0], [0], [1], [0, 0, 1, 1], [], []>, transpose_lhs_hint = false} : vector<1000x131xf32>, vector<131x128xf32>, vector<1000x128xf32> -> vector<1000x128xf32>
    %get3A_6 = arith.constant 0 : index
    %get3A_7 = arith.constant 0 : index
    %get3A_8 = vector.load %arg2[%get3A_6, %get3A_7] : memref<1000x128xf32, #tpu.memory_space<vmem>>, vector<1000x128xf32>
    %add3A = arith.addf %dot_general3A_5, %get3A_8 : vector<1000x128xf32>
    %max3A = arith.constant 0.000000e+00 : f32
    %max3A_9 = vector.broadcast %max3A : f32 to vector<1000x128xf32>
    %max3A_10 = arith.maximumf %add3A, %max3A_9 : vector<1000x128xf32>
    %get3A_11 = arith.constant 0 : index
    %get3A_12 = arith.constant 0 : index
    %get3A_13 = vector.load %arg4[%get3A_11, %get3A_12] : memref<128x1xf32, #tpu.memory_space<vmem>>, vector<128x1xf32>
    %dot_general3A_14 = arith.constant dense<0.000000e+00> : vector<1000x1xf32>
    %dot_general3A_15 = tpu.matmul %max3A_10, %get3A_13, %dot_general3A_14 {dimension_numbers = #tpu.dot_dimension_numbers<[1], [0], [0], [1], [0, 0, 1, 1], [], []>, transpose_lhs_hint = false} : vector<1000x128xf32>, vector<128x1xf32>, vector<1000x1xf32> -> vector<1000x1xf32>
    %get3A_16 = arith.constant 0 : index
    %get3A_17 = arith.constant 0 : index
    %get3A_18 = vector.load %arg5[%get3A_16, %get3A_17] : memref<1x1xf32, #tpu.memory_space<vmem>>, vector<1x1xf32>
    %add3A_19 = vector.broadcast %get3A_18 : vector<1x1xf32> to vector<1000x1xf32>
    %add3A_20 = arith.addf %dot_general3A_15, %add3A_19 : vector<1000x1xf32>
    %swap3A = arith.constant 0 : index
    %swap3A_21 = arith.constant 0 : index
    %swap3A_22 = vector.load %arg6[%swap3A, %swap3A_21] : memref<1000x1xf32, #tpu.memory_space<vmem>>, vector<1000x1xf32>
    tpu.vector_store %arg6[%swap3A, %swap3A_21], %add3A_20 {strides = array<i32>} : memref<1000x1xf32, #tpu.memory_space<vmem>>, vector<1000x1xf32>,
    return
  }
  func.func @transform_0(%arg0: i32) -> (i32, i32) {
    %c0_i32 = arith.constant 0 : i32
    %c0_i32_0 = arith.constant 0 : i32
    return %arg0, %c0_i32 : i32, i32
  }
  func.func @transform_1(%arg0: i32) -> (i32, i32) {
    %c0_i32 = arith.constant 0 : i32
    %c0_i32_0 = arith.constant 0 : i32
    return %arg0, %c0_i32 : i32, i32
  }
  func.func @transform_2(%arg0: i32) -> (i32, i32) {
    %c0_i32 = arith.constant 0 : i32
    %c0_i32_0 = arith.constant 0 : i32
    %c0_i32_1 = arith.constant 0 : i32
    return %c0_i32, %c0_i32_0 : i32, i32
  }
  func.func @transform_3(%arg0: i32) -> (i32, i32) {
    %c0_i32 = arith.constant 0 : i32
    %c0_i32_0 = arith.constant 0 : i32
    %c0_i32_1 = arith.constant 0 : i32
    return %c0_i32, %c0_i32_0 : i32, i32
  }
  func.func @transform_4(%arg0: i32) -> (i32, i32) {
    %c0_i32 = arith.constant 0 : i32
    %c0_i32_0 = arith.constant 0 : i32
    %c0_i32_1 = arith.constant 0 : i32
    return %c0_i32, %c0_i32_0 : i32, i32
  }
  func.func @transform_5(%arg0: i32) -> (i32, i32) {
    %c0_i32 = arith.constant 0 : i32
    %c0_i32_0 = arith.constant 0 : i32
    return %arg0, %c0_i32 : i32, i32
  }
}

</mosaic_0001>

<sc_bundles>
// kernel: kernel.5.cloned.1.call-start
scs
__scs_entry_jumppad:
0x0: {  	(pc) =	sbr.rel $0x88, $3  }
0x1: {  	(tag) =	ssettag $0x0;
	lr =	simm.s32 $0x1  }
0x2: {  	[smem:$0x3F98] =	sst lr;
	_ =	strace $0xD0000000  }
0x3: {  	_ = 	snop  }
0x4: {  	_ = 	snop  }
0x5: {  	_ = 	snop  }
0x6: {  	_ = 	snop  }
0x7: {  	_ = 	snop  }
__scs_overlays_trampoline_lowered:
0x8: {  	[smem:$0x3FA7] =	sst s0  }
0x9: {  	[smem:$0x3FA8] =	sst s1  }
0xa: {  	[smem:$0x3FA9] =	sst s2  }
0xb: {  	[smem:$0x3FAA] =	sst s3  }
0xc: {  	[smem:$0x3FAB] =	sst s4  }
0xd: {  	[smem:$0x3FAC] =	sst s5  }
0xe: {  	[smem:$0x3FAD] =	sst s6  }
0xf: {  	[smem:$0x3FAE] =	sst s7  }
0x10: {  	[smem:$0x3FAF] =	sst s8  }
0x11: {  	[smem:$0x3FB0] =	sst s9;
	s0 =	simm.s32 @!p0 $0x0  }
0x12: {  	s1 =	sld [smem:$0x3F96];
	s0 =	simm.s32 @p0 $0x1  }
0x13: {  	[smem:$0x3FB1] =	sst s0;
	s0 =	simm.s32 @!p1 $0x0  }
0x14: {  	s2 =	sld [smem:$0x3F95];
	s0 =	simm.s32 @p1 $0x1  }
0x15: {  	[smem:$0x3FB2] =	sst s0;
	s0 =	simm.s32 @!p2 $0x0  }
0x16: {  	s3 =	sld [smem:$0x3FDB];
	s0 =	simm.s32 @p2 $0x1  }
0x17: {  	s4 =	simm.s32 $0x1BF5;
	[smem:$0x3FB4] =	sst s0  }
0x18: {  	s0 =	sld [smem:$0x3F97];
	_ =	swait.ge [sflag:s4], $0x0  }
0x19: {  	s7 =	sld [smem:$0x3F98]  }
0x1a: {  	s8 =	sadd.s32 $0xFFFFE003, lr  }
0x1b: {  	s9 =	sadd.s32 $0xFFFFFEF7, lr;
	s5 =	simm.s32 $0xFFFFFFFF;
	p2 =	slt.u32 s8, $0xFFFFF086  }
0x1c: {  	p1 =	slt.u32 s9, $0xF7A;
	s5 =	simm.s32 @!p2 $0x0  }
0x1d: {  	s5 =	simm.s32 @p1 $0x1;
	p0 =	seq.s32 s7, s2  }
0x1e: {  	s7 =	smul.u32 @!p0 $0xF7A, s2;
	p2 =	seq.s32 @!p0 s5, $0x0  }
0x1f: {  	s9 =	smul.u32 $0xF7A, s1;
	s8 =	simm.s32 @!p0 $0x1BF5;
	p2 =	por !p2, p0  }
0x20: {  	[sflag:s8] =	ssyncset.s32 @!p0 $0xFFFFF086;
	s6 =	sadd.s32 @!p0 s3, s7;
	s7 =	simm.s32 @!p0 $0x108  }
0x21: {  	s3 =	sadd.s32 s3, s9;
	s6 =	sadd.s32 @!p0 $0x88, s6;
	s7 =	simm.s32 @p2 $0x1082  }
0x22: {  	[simem:s7], [sflag:s8] =	dma.local @!p0 [hbm:s6], $0xF7A  }
0x23: {  	s9 =	sor.u32 $0xD0000000, s2;
	s6 =	simm.s32 $0x108;
	_ =	swait.ge @!p0 [sflag:s8], $0x0  }
0x24: {  	s3 =	sadd.s32 $0x88, s3;
	s6 =	simm.s32 @!p1 $0x1082;
	[sflag:s4] =	ssyncset.s32 $0xFFFFF086  }
0x25: {  	[simem:s6], [sflag:s4] =	dma.local [hbm:s3], $0xF7A  }
0x26: {  	[smem:$0x3F98] =	sst s1;
	(tag) =	ssettag s2;
	_ =	strace s9  }
0x27: {  	s1 =	sld [smem:$0x3FA8]  }
0x28: {  	s2 =	sld [smem:$0x3FA9]  }
0x29: {  	s4 =	sld [smem:$0x3FAB]  }
0x2a: {  	p0 =	seq.s32 s5, $0x0;
	s5 =	sld [smem:$0x3FAC]  }
0x2b: {  	s6 =	sld [smem:$0x3FAD]  }
0x2c: {  	s7 =	sld [smem:$0x3FAE]  }
0x2d: {  	s3 =	simm.s32 $0x108;
	s8 =	sld [smem:$0x3FAF]  }
0x2e: {  	s3 =	simm.s32 @!p0 $0x1082;
	s9 =	sld [smem:$0x3FB0]  }
0x2f: {  	lr =	sadd.s32 s0, s3;
	s0 =	sld [smem:$0x3FA7]  }
0x30: {  	s3 =	sld [smem:$0x3FAA]  }
0x31: {  	[smem:$0x3FB3] =	sst s10  }
0x32: {  	s10 =	sld [smem:$0x3FB1];
	_ =	sdelay $0x3  }
0x33: {  	p0 =	seq.s32 s10, $0x1;
	s10 =	sld [smem:$0x3FB3];
	_ =	sdelay $0x3  }
0x34: {  	[smem:$0x3FB3] =	sst s10  }
0x35: {  	s10 =	sld [smem:$0x3FB2];
	_ =	sdelay $0x3  }
0x36: {  	p1 =	seq.s32 s10, $0x1;
	s10 =	sld [smem:$0x3FB3];
	_ =	sdelay $0x3  }
0x37: {  	[smem:$0x3FB3] =	sst s10  }
0x38: {  	s10 =	sld [smem:$0x3FB4]  }
0x39: {  	_ = 	snop;
	(pc) =	sbr.ind lr, $3  }
0x3a: {  	_ = 	snop  }
0x3b: {  	_ = 	snop  }
0x3c: {  	p2 =	seq.s32 s10, $0x1;
	s10 =	sld [smem:$0x3FB3]  }
0x3d: {  	_ =	shalt  }
0x3e: {  	_ =	shalt  }
0x3f: {  	_ =	shalt  }
0x40: {  	_ =	shalt  }
0x41: {  	_ =	shalt  }
0x42: {  	_ =	shalt  }
0x43: {  	_ =	shalt  }
0x44: {  	_ =	shalt  }
0x45: {  	_ =	shalt  }
0x46: {  	_ =	shalt  }
0x47: {  	_ =	shalt  }
0x48: {  	_ =	shalt  }
0x49: {  	_ =	shalt  }
0x4a: {  	_ =	shalt  }
0x4b: {  	_ =	shalt  }
0x4c: {  	_ =	shalt  }
0x4d: {  	_ =	shalt  }
0x4e: {  	_ =	shalt  }
0x4f: {  	_ =	shalt  }
0x50: {  	_ =	shalt  }
0x51: {  	_ =	shalt  }
0x52: {  	_ =	shalt  }
0x53: {  	_ =	shalt  }
0x54: {  	_ =	shalt  }
0x55: {  	_ =	shalt  }
0x56: {  	_ =	shalt  }
0x57: {  	_ =	shalt  }
0x58: {  	_ =	shalt  }
0x59: {  	_ =	shalt  }
0x5a: {  	_ =	shalt  }
0x5b: {  	_ =	shalt  }
0x5c: {  	_ =	shalt  }
0x5d: {  	_ =	shalt  }
0x5e: {  	_ =	shalt  }
0x5f: {  	_ =	shalt  }
0x60: {  	_ =	shalt  }
0x61: {  	_ =	shalt  }
0x62: {  	_ =	shalt  }
0x63: {  	_ =	shalt  }
0x64: {  	_ =	shalt  }
0x65: {  	_ =	shalt  }
0x66: {  	_ =	shalt  }
0x67: {  	_ =	shalt  }
0x68: {  	_ =	shalt  }
0x69: {  	_ =	shalt  }
0x6a: {  	_ =	shalt  }
0x6b: {  	_ =	shalt  }
0x6c: {  	_ =	shalt  }
0x6d: {  	_ =	shalt  }
0x6e: {  	_ =	shalt  }
0x6f: {  	_ =	shalt  }
0x70: {  	_ =	shalt  }
0x71: {  	_ =	shalt  }
0x72: {  	_ =	shalt  }
0x73: {  	_ =	shalt  }
0x74: {  	_ =	shalt  }
0x75: {  	_ =	shalt  }
0x76: {  	_ =	shalt  }
0x77: {  	_ =	shalt  }
0x78: {  	_ =	shalt  }
0x79: {  	_ =	shalt  }
0x7a: {  	_ =	shalt  }
0x7b: {  	_ =	shalt  }
0x7c: {  	_ =	shalt  }
0x7d: {  	_ =	shalt  }
0x7e: {  	_ =	shalt  }
0x7f: {  	_ =	shalt  }
0x80: {  	_ =	shalt  }
0x81: {  	_ =	shalt  }
0x82: {  	_ =	shalt  }
0x83: {  	_ =	shalt  }
0x84: {  	_ =	shalt  }
0x85: {  	_ =	shalt  }
0x86: {  	_ =	shalt  }
0x87: {  	_ =	shalt  }
.Lfunc_end0:
.L_simem_size_0:
called_computation_lowered:
.L_overlay_start_0:
0x88: {  	s2 =	sld [smem:$0x3FD9]  }
0x89: {  	s3 =	sld [smem:$0x3FFE];
	_ =	sdelay $0x1  }
0x8a: {  	s1 =	srdreg.scid  }
0x8b: {  	s0 =	sand.u32 $0x1, s1  }
0x8c: {  	s17 =	sshll.u32 s0, $0xA;
	s2 =	sadd.s32 s3, s2  }
0x8d: {  	s2 =	sadd.s32 s2, s17  }
0x8e: {  	[smem:$0x3FBF] =	sst s2  }
0x8f: {  	_ = 	snop  }
0x90: {  	s2 =	sld [smem:$0x3FD0];
	(tm) =	ssettm $0x1  }
0x91: {  	s18 =	sld [smem:$0x3FFB];
	_ =	sdelay $0x3  }
0x92: {  	_ =	strace s18  }
0x93: {  	s3 =	sld [smem:$0x3FFC];
	_ =	sdelay $0x3  }
0x94: {  	_ =	strace s3  }
0x95: {  	s3 =	sld [smem:$0x3FFD];
	_ =	sdelay $0x3  }
0x96: {  	_ =	strace s3  }
0x97: {  	_ =	strace $0x8FFFFFFF  }
0x98: {  	s19 =	sld [smem:$0x3FDB];
	_ =	sdelay $0x1  }
0x99: {  	s4 =	simm.s32 $_scs_section_size  }
0x9a: {  	s5 =	simm.s32 $_size__tile_overlayer_lowered;
	s6 =	simm.s32 $_tile_overlayer_lowered  }
0x9b: {  	s22 =	simm.s32 $0x1BFF;
	s21 =	sshll.u32 s6, $0x1;
	s3 =	sadd.s32 s4, s19  }
0x9c: {  	s7 =	simm.s32 $0x0;
	s20 =	sshll.u32 s5, $0x1;
	s5 =	sadd.s32 s21, s3  }
0x9d: {  	[timem:s7], [sflag:s22] =	dma.local [hbm:s5], s20  }
0x9e: {  	_ =	swait.ge [sflag:s22], s20  }
0x9f: {  	s4 =	ssub.s32 $0x0, s20;
	[sflag:s22] =	ssyncset.done $0x0  }
0xa0: {  	[sflag:s22] =	ssyncadd.s32 s4;
	_ =	sdelay $0x1  }
0xa1: {  	s23 =	simm.s32 $0x1B8B  }
0xa2: {  	_ =	swait.ge [sflag:s23], $0x1  }
0xa3: {  	[sflag:s23] =	ssyncset.done $0x0  }
0xa4: {  	s25 =	simm.s32 $0x1B8E;
	s24 =	sld [smem:$0x3FFE];
	[sflag:s23] =	ssyncadd.s32 $0xFFFFFFFF  }
0xa5: {  	s26 =	simm.s32 $execute0_lowered;
	[smem:$0x3FD2] =	sst s25  }
0xa6: {  	s5 =	sshll.u32 s26, $0x1;
	_ =	strace $0x80000046;
	[dreg:$0x1] =	wrdreg $0xFFFFFFFF  }
0xa7: {  	s28 =	simm.s32 $_size_execute0_lowered;
	s3 =	sadd.s32 s3, s5;
	[dreg:$0x0] =	wrdreg $0x0  }
0xa8: {  	s5 =	sshll.u32 s28, $0x1;
	[dreg:$0x2] =	wrdreg s3  }
0xa9: {  	[dreg:$0x3] =	wrdreg s5  }
0xaa: {  	[dreg:$0x4] =	wrdreg $0xC0  }
0xab: {  	_ =	task [dreg:s7], $0x5FFFF  }
0xac: {  	[dreg:$0x1] =	wrdreg $0xFFFFFFFF  }
0xad: {  	[dreg:$0x0] =	wrdreg $0x60  }
0xae: {  	[dreg:$0x2] =	wrdreg s24  }
0xaf: {  	[dreg:$0x3] =	wrdreg s2  }
0xb0: {  	[dreg:$0x4] =	wrdreg $0x9  }
0xb1: {  	_ =	task.clear_ibuf [dreg:s7], $0x5FFFF;
	_ =	strace $0x90000046  }
0xb2: {  	s29 =	simm.s32 $0x9;
	_ =	strace $0x80000048  }
0xb3: {  	_ =	swait.ge [sflag:s29], $0x1  }
0xb4: {  	[sflag:s29] =	ssyncadd.s32 $0xFFFFFFFF  }
0xb5: {  	_ =	strace $0x90000048  }
0xb6: {  	_ =	sfence  }
0xb7: {  	s30 =	sld [smem:$0x0];
	_ =	sdelay $0x2  }
0xb8: {  	s31 =	sshll.u32 s1, $0xD;
	s1 =	sshrl.u32 s1, $0x2  }
0xb9: {  	s3 =	sand.u32 $0x4000, s31;
	s1 =	sadd.s32 s1, s30  }
0xba: {  	s0 =	sor.u32 s3, s0;
	s1 =	sshll.u32 s1, $0x11  }
0xbb: {  	s0 =	sor.u32 s1, s0  }
0xbc: {  	s0 =	sadd.s32 $0x8F2B, s0  }
0xbd: {  	[sflag:s0] =	ssyncadd.remote.s32 $0x1  }
0xbe: {  	_ =	sfence.sel $0xFFFF  }
0xbf: {  	[dreg:$0x0] =	wrdreg $0xFFFFFFFF;
	(pc) =	sbr.abs _section_cstart, $3  }
0xc0: {  	[dreg:$0x1] =	wrdreg $0xFFFFFFFF  }
0xc1: {  	_ =	task.clear_ibuf [dreg:s7], $0x2FFFF;
	_ =	strace $0x9FFFFFFF  }
0xc2: {  	(tm) =	ssettm $0x7FFFFFFF  }
0xc3: {  	_ =	shalt  }
tec
execute0_lowered:
.L_overlay_start_1:
0x0: {  	(tag) =	ssettag $0x1  }
0x1: {  	s0 =	rddreg [dreg:$0x0]  }
0x2: {  	s1 =	srdreg.scid;
	s3 =	rddreg [dreg:$0x1]  }
0x3: {  	s11 =	stileid.u32;
	s15 =	rddreg [dreg:$0x2];
	s2 =	simm.s32 $0x0  }
0x4: {  	s26 =	simm.s32 $0xE0;
	s28 =	simm.s32 $0x150;
	s29 =	simm.s32 $0x1C0  }
0x5: {  	s1 =	sand.u32 $0x1, s1;
	[smem:$0x7FF] =	sst s2;
	s24 =	sadd.s32 $0xD5600, s0  }
0x6: {  	s4 =	sshll.u32 s11, $0x1;
	_ =	strace $0x80000047;
	[dreg:$0x13] =	wrdreg s24  }
0x7: {  	s30 =	simm.s32 $0x230;
	s4 =	sor.u32 s1, s4;
	[dreg:$0x14] =	wrdreg s26  }
0x8: {  	p2 =	por $0x0, $0x0;
	[dreg:$0x15] =	wrdreg s28;
	s5 =	smul.u32 $0xC4, s4  }
0x9: {  	s7 =	sadd.s32 $0x12400, s0;
	[dreg:$0x16] =	wrdreg s29;
	s6 =	smul.u32 $0x31000, s4  }
0xa: {  	[dreg:$0x17] =	wrdreg s30;
	s8 =	smul.u32 $0x6200, s4;
	s5 =	sadd.s32 s3, s5  }
0xb: {  	s1 =	ssub.s32 $0x2, s1;
	s3 =	sadd.s32 $0x17BC, s3;
	[dreg:$0x3] =	wrdreg s5  }
0xc: {  	s31 =	sshrl.u32 s6, $0x3;
	s6 =	sadd.s32 s7, s8;
	[dreg:$0x4] =	wrdreg s3  }
0xd: {  	s5 =	sadd.s32 s7, s31;
	[dreg:$0x5] =	wrdreg s6;
	s31 =	simm.s32 $0x2A0  }
0xe: {  	s22 =	sshrl.u32 s1, $0x1;
	s8 =	sadd.s32 $0x700, s5;
	[dreg:$0x18] =	wrdreg s31  }
0xf: {  	p1 =	seq.s32 s4, $0x1F;
	s9 =	sadd.s32 $0xE00, s5;
	[dreg:$0x6] =	wrdreg s8  }
0x10: {  	p0 =	sne.s32 s4, $0x1F;
	s10 =	sadd.s32 $0x1500, s5;
	[dreg:$0x7] =	wrdreg s9  }
0x11: {  	s4 =	simm.s32 $0x3E80;
	s12 =	sadd.s32 $0x1C00, s5;
	[dreg:$0x8] =	wrdreg s10  }
0x12: {  	s1 =	ssub.s32 s1, s22;
	s13 =	sadd.s32 $0x2300, s5;
	[dreg:$0x9] =	wrdreg s12  }
0x13: {  	s25 =	smax.u32 s1, $0x1;
	s14 =	sadd.s32 $0x2A00, s5;
	[dreg:$0xa] =	wrdreg s13  }
0x14: {  	s3 =	sadd.s32 $0x2400, s0;
	s16 =	sadd.s32 $0x3100, s5;
	[dreg:$0xb] =	wrdreg s14  }
0x15: {  	s7 =	simm.s32 $0x680;
	s17 =	sadd.s32 $0x3800, s5;
	[dreg:$0xc] =	wrdreg s16  }
0x16: {  	s6 =	simm.s32 $0x2;
	s18 =	sadd.s32 $0x3F00, s5;
	[dreg:$0xd] =	wrdreg s17  }
0x17: {  	s0 =	sadd.s32 $0xFFFFFFFF, s25;
	s19 =	sadd.s32 $0x4600, s5;
	[dreg:$0xe] =	wrdreg s18  }
0x18: {  	s20 =	sadd.s32 $0x4D00, s5;
	p3 =	sne.s32 s0, $0x0;
	[dreg:$0xf] =	wrdreg s19  }
.Ltmp0:
0x19: {  	s21 =	sadd.s32 $0x5400, s5;
	[dreg:$0x10] =	wrdreg s20;
	(pc) =	sbr.rel @!p3 .LBB2_1-.Ltmp0, $4  }
0x1a: {  	s23 =	sadd.s32 $0x5B00, s5;
	s5 =	simm.s32 $0x3;
	[dreg:$0x11] =	wrdreg s21  }
0x1b: {  	[dreg:$0x12] =	wrdreg s23;
	s8 =	simm.s32 $0x70;
	s9 =	simm.s32 $0x1  }
0x1c: {  	s20 =	simm.s32 $0x310;
	s17 =	simm.s32 $0x380;
	s19 =	simm.s32 $0x3F0  }
0x1d: {  	s14 =	simm.s32 $0x460;
	s13 =	simm.s32 $0x4D0;
	s12 =	rddreg [dreg:$0x4]  }
0x1e: {  	s1 =	simm.s32 @p1 $0x0;
	s16 =	simm.s32 @p1 $0x3  }
0x1f: {  	[tilespmem:s1], [sflag:$0x3] =	stream.linear.gather @p1 [hbm4b:s12+s1], $0x570, $0x38;
	[tilespmem:$0x7680] =	vst v63  }
0x20: {  	_ =	swait.ge @p1 [sflag:s16], $0x570  }
0x21: {  	s10 =	simm.s32 @!p1 $0x0;
	[sflag:s16] =	ssyncset.done @p1 $0x0  }
0x22: {  	s18 =	simm.s32 @!p1 $0x3;
	s1 =	rddreg [dreg:$0x3];
	[sflag:s16] =	ssyncadd.s32 @p1 $0xFFFFFA90  }
0x23: {  	[tilespmem:s10], [sflag:$0x3] =	stream.linear.gather @!p1 [hbm4b:s1+s10], $0x620, $0x38;
	[tilespmem:$0x7680] =	vst v63  }
0x24: {  	_ =	swait.ge @!p1 [sflag:s18], $0x620  }
0x25: {  	[sflag:s18] =	ssyncset.done @!p1 $0x0  }
0x26: {  	[sflag:s18] =	ssyncadd.s32 @!p1 $0xFFFFF9E0  }
0x27: {  	[tilespmem:s7], [sflag:$0x1] =	stream.indirect.gather [hbm4b:s3+s8], $0x80, s2, s8, $0xb8;
	[tilespmem:$0x7680] =	vst v63  }
0x28: {  	_ = 	snop  }
0x29: {  	[tilespmem:s4], [sflag:$0x2] =	stream.indirect.gather [hbm4b:s3+s8], $0x80, s8, s8, $0xb8;
	[tilespmem:$0x7680] =	vst v63  }
0x2a: {  	_ =	swait.ge [sflag:s9], $0x3800  }
0x2b: {  	[sflag:s9] =	ssyncset.done $0x0  }
0x2c: {  	s15 =	rddreg [dreg:$0x5];
	[sflag:s9] =	ssyncadd.s32 $0xFFFFC800  }
0x2d: {  	[hbm4b:s15+s2] =	stream.linear.scatter [tilespmem:s7], [sflag:$0x3], $0x3800, $0x38;
	[tilespmem:$0x7680] =	vst v63  }
0x2e: {  	_ =	swait.ge [sflag:s5], $0x3800  }
0x2f: {  	[sflag:s5] =	ssyncset.done $0x0  }
0x30: {  	s21 =	rddreg [dreg:$0x14];
	[sflag:s5] =	ssyncadd.s32 $0xFFFFC800  }
0x31: {  	[tilespmem:s7], [sflag:$0x1] =	stream.indirect.gather [hbm4b:s3+s8], $0x80, s21, s8, $0xb8;
	[tilespmem:$0x7680] =	vst v63  }
0x32: {  	_ =	swait.ge [sflag:s6], $0x3800  }
0x33: {  	[sflag:s6] =	ssyncset.done $0x0  }
0x34: {  	s22 =	rddreg [dreg:$0x6];
	[sflag:s6] =	ssyncadd.s32 $0xFFFFC800  }
0x35: {  	[hbm4b:s22+s2] =	stream.linear.scatter [tilespmem:s4], [sflag:$0x3], $0x3800, $0x38;
	[tilespmem:$0x7680] =	vst v63  }
0x36: {  	_ =	swait.ge [sflag:s5], $0x3800  }
0x37: {  	[sflag:s5] =	ssyncset.done $0x0  }
0x38: {  	s23 =	rddreg [dreg:$0x15];
	[sflag:s5] =	ssyncadd.s32 $0xFFFFC800  }
0x39: {  	[tilespmem:s4], [sflag:$0x2] =	stream.indirect.gather [hbm4b:s3+s8], $0x80, s23, s8, $0xb8;
	[tilespmem:$0x7680] =	vst v63  }
0x3a: {  	_ =	swait.ge [sflag:s9], $0x3800  }
0x3b: {  	[sflag:s9] =	ssyncset.done $0x0  }
0x3c: {  	s24 =	rddreg [dreg:$0x7];
	[sflag:s9] =	ssyncadd.s32 $0xFFFFC800  }
0x3d: {  	[hbm4b:s24+s2] =	stream.linear.scatter [tilespmem:s7], [sflag:$0x3], $0x3800, $0x38;
	[tilespmem:$0x7680] =	vst v63  }
0x3e: {  	_ =	swait.ge [sflag:s5], $0x3800  }
0x3f: {  	[sflag:s5] =	ssyncset.done $0x0  }
0x40: {  	s25 =	rddreg [dreg:$0x16];
	[sflag:s5] =	ssyncadd.s32 $0xFFFFC800  }
0x41: {  	[tilespmem:s7], [sflag:$0x1] =	stream.indirect.gather [hbm4b:s3+s8], $0x80, s25, s8, $0xb8;
	[tilespmem:$0x7680] =	vst v63  }
0x42: {  	_ =	swait.ge [sflag:s6], $0x3800  }
0x43: {  	[sflag:s6] =	ssyncset.done $0x0  }
0x44: {  	s26 =	rddreg [dreg:$0x8];
	[sflag:s6] =	ssyncadd.s32 $0xFFFFC800  }
0x45: {  	[hbm4b:s26+s2] =	stream.linear.scatter [tilespmem:s4], [sflag:$0x3], $0x3800, $0x38;
	[tilespmem:$0x7680] =	vst v63  }
0x46: {  	_ =	swait.ge [sflag:s5], $0x3800  }
0x47: {  	[sflag:s5] =	ssyncset.done $0x0  }
0x48: {  	s10 =	rddreg [dreg:$0x17];
	[sflag:s5] =	ssyncadd.s32 $0xFFFFC800  }
0x49: {  	[tilespmem:s4], [sflag:$0x2] =	stream.indirect.gather [hbm4b:s3+s8], $0x80, s10, s8, $0xb8;
	[tilespmem:$0x7680] =	vst v63  }
0x4a: {  	_ =	swait.ge [sflag:s9], $0x3800  }
0x4b: {  	[sflag:s9] =	ssyncset.done $0x0  }
0x4c: {  	s11 =	rddreg [dreg:$0x9];
	[sflag:s9] =	ssyncadd.s32 $0xFFFFC800  }
0x4d: {  	[hbm4b:s11+s2] =	stream.linear.scatter [tilespmem:s7], [sflag:$0x3], $0x3800, $0x38;
	[tilespmem:$0x7680] =	vst v63  }
0x4e: {  	_ =	swait.ge [sflag:s5], $0x3800  }
0x4f: {  	[sflag:s5] =	ssyncset.done $0x0  }
0x50: {  	s12 =	rddreg [dreg:$0x18];
	[sflag:s5] =	ssyncadd.s32 $0xFFFFC800  }
0x51: {  	[tilespmem:s7], [sflag:$0x1] =	stream.indirect.gather [hbm4b:s3+s8], $0x80, s12, s8, $0xb8;
	[tilespmem:$0x7680] =	vst v63  }
0x52: {  	_ =	swait.ge [sflag:s6], $0x3800  }
0x53: {  	[sflag:s6] =	ssyncset.done $0x0  }
0x54: {  	s15 =	rddreg [dreg:$0xa];
	[sflag:s6] =	ssyncadd.s32 $0xFFFFC800  }
0x55: {  	[hbm4b:s15+s2] =	stream.linear.scatter [tilespmem:s4], [sflag:$0x3], $0x3800, $0x38;
	[tilespmem:$0x7680] =	vst v63  }
0x56: {  	_ =	swait.ge [sflag:s5], $0x3800  }
0x57: {  	[sflag:s5] =	ssyncset.done $0x0  }
0x58: {  	[sflag:s5] =	ssyncadd.s32 $0xFFFFC800  }
0x59: {  	[tilespmem:s4], [sflag:$0x2] =	stream.indirect.gather [hbm4b:s3+s8], $0x80, s20, s8, $0xb8;
	[tilespmem:$0x7680] =	vst v63  }
0x5a: {  	_ =	swait.ge [sflag:s9], $0x3800  }
0x5b: {  	[sflag:s9] =	ssyncset.done $0x0  }
0x5c: {  	s21 =	rddreg [dreg:$0xb];
	[sflag:s9] =	ssyncadd.s32 $0xFFFFC800  }
0x5d: {  	[hbm4b:s21+s2] =	stream.linear.scatter [tilespmem:s7], [sflag:$0x3], $0x3800, $0x38;
	[tilespmem:$0x7680] =	vst v63  }
0x5e: {  	_ =	swait.ge [sflag:s5], $0x3800  }
0x5f: {  	[sflag:s5] =	ssyncset.done $0x0  }
0x60: {  	[sflag:s5] =	ssyncadd.s32 $0xFFFFC800  }
0x61: {  	[tilespmem:s7], [sflag:$0x1] =	stream.indirect.gather [hbm4b:s3+s8], $0x80, s17, s8, $0xb8;
	[tilespmem:$0x7680] =	vst v63  }
0x62: {  	_ =	swait.ge [sflag:s6], $0x3800  }
0x63: {  	[sflag:s6] =	ssyncset.done $0x0  }
0x64: {  	s22 =	rddreg [dreg:$0xc];
	[sflag:s6] =	ssyncadd.s32 $0xFFFFC800  }
0x65: {  	[hbm4b:s22+s2] =	stream.linear.scatter [tilespmem:s4], [sflag:$0x3], $0x3800, $0x38;
	[tilespmem:$0x7680] =	vst v63  }
0x66: {  	_ =	swait.ge [sflag:s5], $0x3800  }
0x67: {  	[sflag:s5] =	ssyncset.done $0x0  }
0x68: {  	[sflag:s5] =	ssyncadd.s32 $0xFFFFC800  }
0x69: {  	[tilespmem:s4], [sflag:$0x2] =	stream.indirect.gather [hbm4b:s3+s8], $0x80, s19, s8, $0xb8;
	[tilespmem:$0x7680] =	vst v63  }
0x6a: {  	_ =	swait.ge [sflag:s9], $0x3800  }
0x6b: {  	[sflag:s9] =	ssyncset.done $0x0  }
0x6c: {  	s23 =	rddreg [dreg:$0xd];
	[sflag:s9] =	ssyncadd.s32 $0xFFFFC800  }
0x6d: {  	[hbm4b:s23+s2] =	stream.linear.scatter [tilespmem:s7], [sflag:$0x3], $0x3800, $0x38;
	[tilespmem:$0x7680] =	vst v63  }
0x6e: {  	_ =	swait.ge [sflag:s5], $0x3800  }
0x6f: {  	[sflag:s5] =	ssyncset.done $0x0  }
0x70: {  	[sflag:s5] =	ssyncadd.s32 $0xFFFFC800  }
0x71: {  	[tilespmem:s7], [sflag:$0x1] =	stream.indirect.gather [hbm4b:s3+s8], $0x80, s14, s8, $0xb8;
	[tilespmem:$0x7680] =	vst v63  }
0x72: {  	_ =	swait.ge [sflag:s6], $0x3800  }
0x73: {  	[sflag:s6] =	ssyncset.done $0x0  }
0x74: {  	s24 =	rddreg [dreg:$0xe];
	[sflag:s6] =	ssyncadd.s32 $0xFFFFC800  }
0x75: {  	[hbm4b:s24+s2] =	stream.linear.scatter [tilespmem:s4], [sflag:$0x3], $0x3800, $0x38;
	[tilespmem:$0x7680] =	vst v63  }
0x76: {  	_ =	swait.ge [sflag:s5], $0x3800  }
0x77: {  	[sflag:s5] =	ssyncset.done $0x0  }
0x78: {  	[sflag:s5] =	ssyncadd.s32 $0xFFFFC800  }
0x79: {  	[tilespmem:s4], [sflag:$0x2] =	stream.indirect.gather [hbm4b:s3+s8], $0x80, s13, s8, $0xb8;
	[tilespmem:$0x7680] =	vst v63  }
0x7a: {  	_ =	swait.ge [sflag:s9], $0x3800  }
0x7b: {  	[sflag:s9] =	ssyncset.done $0x0  }
0x7c: {  	s25 =	rddreg [dreg:$0xf];
	[sflag:s9] =	ssyncadd.s32 $0xFFFFC800  }
0x7d: {  	[hbm4b:s25+s2] =	stream.linear.scatter [tilespmem:s7], [sflag:$0x3], $0x3800, $0x38;
	[tilespmem:$0x7680] =	vst v63  }
0x7e: {  	_ =	swait.ge [sflag:s5], $0x3800  }
0x7f: {  	s20 =	simm.s32 @p0 $0x70;
	[sflag:s5] =	ssyncset.done $0x0  }
0x80: {  	s21 =	simm.s32 @p0 $0x540;
	s19 =	simm.s32 @p0 $0x680;
	[sflag:s5] =	ssyncadd.s32 $0xFFFFC800  }
0x81: {  	[tilespmem:s19], [sflag:$0x1] =	stream.indirect.gather @p0 [hbm4b:s3+s20], $0x80, s21, s20, $0xb8;
	[tilespmem:$0x7680] =	vst v63  }
0x82: {  	s22 =	simm.s32 @!p0 $0x30;
	s23 =	simm.s32 @!p0 $0x540;
	s24 =	simm.s32 @!p0 $0x680  }
0x83: {  	[tilespmem:s24], [sflag:$0x1] =	stream.indirect.gather @!p0 [hbm4b:s3+s22], $0x80, s23, s22, $0xb8;
	[tilespmem:$0x7680] =	vst v63  }
0x84: {  	_ =	swait.ge [sflag:s6], $0x3800  }
0x85: {  	[sflag:s6] =	ssyncset.done $0x0  }
0x86: {  	s26 =	rddreg [dreg:$0x10];
	[sflag:s6] =	ssyncadd.s32 $0xFFFFC800  }
0x87: {  	[hbm4b:s26+s2] =	stream.linear.scatter [tilespmem:s4], [sflag:$0x3], $0x3800, $0x38;
	[tilespmem:$0x7680] =	vst v63  }
0x88: {  	_ =	swait.ge [sflag:s5], $0x3800  }
0x89: {  	s28 =	simm.s32 @p0 $0x3E80;
	[sflag:s5] =	ssyncset.done $0x0  }
0x8a: {  	s25 =	simm.s32 @p0 $0x1;
	s26 =	simm.s32 @p0 $0x5B0;
	[sflag:s5] =	ssyncadd.s32 $0xFFFFC800  }
0x8b: {  	[tilespmem:s28], [sflag:$0x2] =	stream.indirect.gather @p0 [hbm4b:s3+s20], $0x80, s26, s20, $0xb8;
	[tilespmem:$0x7680] =	vst v63  }
0x8c: {  	_ =	swait.ge @p0 [sflag:s25], $0x3800  }
0x8d: {  	s29 =	simm.s32 @p0 $0x0;
	[sflag:s25] =	ssyncset.done @p0 $0x0  }
0x8e: {  	s30 =	simm.s32 @p0 $0x3;
	s1 =	rddreg [dreg:$0x11];
	[sflag:s25] =	ssyncadd.s32 @p0 $0xFFFFC800  }
0x8f: {  	[hbm4b:s1+s29] =	stream.linear.scatter @p0 [tilespmem:s19], [sflag:$0x3], $0x3800, $0x38;
	[tilespmem:$0x7680] =	vst v63  }
0x90: {  	_ =	swait.ge @p0 [sflag:s30], $0x3800  }
0x91: {  	[sflag:s30] =	ssyncset.done @p0 $0x0  }
0x92: {  	s31 =	simm.s32 @p0 $0x2;
	[sflag:s30] =	ssyncadd.s32 @p0 $0xFFFFC800  }
0x93: {  	_ =	swait.ge @p0 [sflag:s31], $0x3800  }
0x94: {  	[sflag:s31] =	ssyncset.done @p0 $0x0  }
0x95: {  	s1 =	rddreg [dreg:$0x12];
	[sflag:s31] =	ssyncadd.s32 @p0 $0xFFFFC800  }
0x96: {  	[hbm4b:s1+s29] =	stream.linear.scatter @p0 [tilespmem:s28], [sflag:$0x3], $0x3800, $0x38;
	[tilespmem:$0x7680] =	vst v63  }
0x97: {  	_ =	swait.ge @p0 [sflag:s30], $0x3800  }
0x98: {  	[sflag:s30] =	ssyncset.done @p0 $0x0  }
0x99: {  	s10 =	sadd.s32 $0xFFFFFFFF, s0;
	s1 =	simm.s32 @!p0 $0x1;
	[sflag:s30] =	ssyncadd.s32 @p0 $0xFFFFC800  }
0x9a: {  	p2 =	por $0x1, $0x1;
	p3 =	sne.s32 s10, $0x0;
	_ =	swait.ge @!p0 [sflag:s1], $0x1800  }
.Ltmp1:
0x9b: {  	s0 =	simm.s32 @!p0 $0x3;
	[sflag:s1] =	ssyncset.done @!p0 $0x0;
	(pc) =	sbr.rel @!p3 .LBB2_3-.Ltmp1, $4  }
0x9c: {  	s11 =	simm.s32 @!p0 $0x0;
	s12 =	rddreg [dreg:$0x13];
	[sflag:s1] =	ssyncadd.s32 @!p0 $0xFFFFE800  }
0x9d: {  	[hbm4b:s12+s11] =	stream.linear.scatter @!p0 [tilespmem:s24], [sflag:$0x3], $0x1800, $0x38;
	[tilespmem:$0x7680] =	vst v63  }
0x9e: {  	s15 =	simm.s32 $0x3F0;
	s17 =	simm.s32 $0x380;
	_ =	swait.ge @!p0 [sflag:s0], $0x1800  }
0x9f: {  	s13 =	simm.s32 $0x310;
	s12 =	rddreg [dreg:$0x4];
	[sflag:s0] =	ssyncset.done @!p0 $0x0  }
.LBB2_4:
0xa0: {  	[sflag:s0] =	ssyncadd.s32 @!p0 $0xFFFFE800;
	s14 =	simm.s32 @p1 $0x0  }
0xa1: {  	[tilespmem:s14], [sflag:$0x3] =	stream.linear.gather @p1 [hbm4b:s12+s14], $0x570, $0x38;
	[tilespmem:$0x7680] =	vst v63  }
0xa2: {  	_ =	swait.ge @p1 [sflag:s16], $0x570  }
0xa3: {  	[sflag:s16] =	ssyncset.done @p1 $0x0  }
0xa4: {  	s14 =	simm.s32 @!p1 $0x0;
	s12 =	rddreg [dreg:$0x3];
	[sflag:s16] =	ssyncadd.s32 @p1 $0xFFFFFA90  }
0xa5: {  	[tilespmem:s14], [sflag:$0x3] =	stream.linear.gather @!p1 [hbm4b:s12+s14], $0x620, $0x38;
	[tilespmem:$0x7680] =	vst v63  }
0xa6: {  	_ =	swait.ge @!p1 [sflag:s18], $0x620  }
0xa7: {  	[sflag:s18] =	ssyncset.done @!p1 $0x0  }
0xa8: {  	[sflag:s18] =	ssyncadd.s32 @!p1 $0xFFFFF9E0  }
0xa9: {  	[tilespmem:s7], [sflag:$0x1] =	stream.indirect.gather [hbm4b:s3+s8], $0x80, s2, s8, $0xb8;
	[tilespmem:$0x7680] =	vst v63  }
0xaa: {  	_ = 	snop  }
0xab: {  	[tilespmem:s4], [sflag:$0x2] =	stream.indirect.gather [hbm4b:s3+s8], $0x80, s8, s8, $0xb8;
	[tilespmem:$0x7680] =	vst v63  }
0xac: {  	_ =	swait.ge [sflag:s9], $0x3800  }
0xad: {  	[sflag:s9] =	ssyncset.done $0x0  }
0xae: {  	s14 =	rddreg [dreg:$0x5];
	[sflag:s9] =	ssyncadd.s32 $0xFFFFC800  }
0xaf: {  	[hbm4b:s14+s2] =	stream.linear.scatter [tilespmem:s7], [sflag:$0x3], $0x3800, $0x38;
	[tilespmem:$0x7680] =	vst v63  }
0xb0: {  	_ =	swait.ge [sflag:s5], $0x3800  }
0xb1: {  	[sflag:s5] =	ssyncset.done $0x0  }
0xb2: {  	s14 =	rddreg [dreg:$0x14];
	[sflag:s5] =	ssyncadd.s32 $0xFFFFC800  }
0xb3: {  	[tilespmem:s7], [sflag:$0x1] =	stream.indirect.gather [hbm4b:s3+s8], $0x80, s14, s8, $0xb8;
	[tilespmem:$0x7680] =	vst v63  }
0xb4: {  	_ =	swait.ge [sflag:s6], $0x3800  }
0xb5: {  	[sflag:s6] =	ssyncset.done $0x0  }
0xb6: {  	s14 =	rddreg [dreg:$0x6];
	[sflag:s6] =	ssyncadd.s32 $0xFFFFC800  }
0xb7: {  	[hbm4b:s14+s2] =	stream.linear.scatter [tilespmem:s4], [sflag:$0x3], $0x3800, $0x38;
	[tilespmem:$0x7680] =	vst v63  }
0xb8: {  	_ =	swait.ge [sflag:s5], $0x3800  }
0xb9: {  	[sflag:s5] =	ssyncset.done $0x0  }
0xba: {  	s14 =	rddreg [dreg:$0x15];
	[sflag:s5] =	ssyncadd.s32 $0xFFFFC800  }
0xbb: {  	[tilespmem:s4], [sflag:$0x2] =	stream.indirect.gather [hbm4b:s3+s8], $0x80, s14, s8, $0xb8;
	[tilespmem:$0x7680] =	vst v63  }
0xbc: {  	_ =	swait.ge [sflag:s9], $0x3800  }
0xbd: {  	[sflag:s9] =	ssyncset.done $0x0  }
0xbe: {  	s14 =	rddreg [dreg:$0x7];
	[sflag:s9] =	ssyncadd.s32 $0xFFFFC800  }
0xbf: {  	[hbm4b:s14+s2] =	stream.linear.scatter [tilespmem:s7], [sflag:$0x3], $0x3800, $0x38;
	[tilespmem:$0x7680] =	vst v63  }
0xc0: {  	_ =	swait.ge [sflag:s5], $0x3800  }
0xc1: {  	[sflag:s5] =	ssyncset.done $0x0  }
0xc2: {  	s14 =	rddreg [dreg:$0x16];
	[sflag:s5] =	ssyncadd.s32 $0xFFFFC800  }
0xc3: {  	[tilespmem:s7], [sflag:$0x1] =	stream.indirect.gather [hbm4b:s3+s8], $0x80, s14, s8, $0xb8;
	[tilespmem:$0x7680] =	vst v63  }
0xc4: {  	_ =	swait.ge [sflag:s6], $0x3800  }
0xc5: {  	[sflag:s6] =	ssyncset.done $0x0  }
0xc6: {  	s14 =	rddreg [dreg:$0x8];
	[sflag:s6] =	ssyncadd.s32 $0xFFFFC800  }
0xc7: {  	[hbm4b:s14+s2] =	stream.linear.scatter [tilespmem:s4], [sflag:$0x3], $0x3800, $0x38;
	[tilespmem:$0x7680] =	vst v63  }
0xc8: {  	_ =	swait.ge [sflag:s5], $0x3800  }
0xc9: {  	[sflag:s5] =	ssyncset.done $0x0  }
0xca: {  	s14 =	rddreg [dreg:$0x17];
	[sflag:s5] =	ssyncadd.s32 $0xFFFFC800  }
0xcb: {  	[tilespmem:s4], [sflag:$0x2] =	stream.indirect.gather [hbm4b:s3+s8], $0x80, s14, s8, $0xb8;
	[tilespmem:$0x7680] =	vst v63  }
0xcc: {  	_ =	swait.ge [sflag:s9], $0x3800  }
0xcd: {  	[sflag:s9] =	ssyncset.done $0x0  }
0xce: {  	s14 =	rddreg [dreg:$0x9];
	[sflag:s9] =	ssyncadd.s32 $0xFFFFC800  }
0xcf: {  	[hbm4b:s14+s2] =	stream.linear.scatter [tilespmem:s7], [sflag:$0x3], $0x3800, $0x38;
	[tilespmem:$0x7680] =	vst v63  }
0xd0: {  	_ =	swait.ge [sflag:s5], $0x3800  }
0xd1: {  	[sflag:s5] =	ssyncset.done $0x0  }
0xd2: {  	s14 =	rddreg [dreg:$0x18];
	[sflag:s5] =	ssyncadd.s32 $0xFFFFC800  }
0xd3: {  	[tilespmem:s7], [sflag:$0x1] =	stream.indirect.gather [hbm4b:s3+s8], $0x80, s14, s8, $0xb8;
	[tilespmem:$0x7680] =	vst v63  }
0xd4: {  	_ =	swait.ge [sflag:s6], $0x3800  }
0xd5: {  	[sflag:s6] =	ssyncset.done $0x0  }
0xd6: {  	s14 =	rddreg [dreg:$0xa];
	[sflag:s6] =	ssyncadd.s32 $0xFFFFC800  }
0xd7: {  	[hbm4b:s14+s2] =	stream.linear.scatter [tilespmem:s4], [sflag:$0x3], $0x3800, $0x38;
	[tilespmem:$0x7680] =	vst v63  }
0xd8: {  	_ =	swait.ge [sflag:s5], $0x3800  }
0xd9: {  	[sflag:s5] =	ssyncset.done $0x0  }
0xda: {  	[sflag:s5] =	ssyncadd.s32 $0xFFFFC800  }
0xdb: {  	[tilespmem:s4], [sflag:$0x2] =	stream.indirect.gather [hbm4b:s3+s8], $0x80, s13, s8, $0xb8;
	[tilespmem:$0x7680] =	vst v63  }
0xdc: {  	_ =	swait.ge [sflag:s9], $0x3800  }
0xdd: {  	[sflag:s9] =	ssyncset.done $0x0  }
0xde: {  	s14 =	rddreg [dreg:$0xb];
	[sflag:s9] =	ssyncadd.s32 $0xFFFFC800  }
0xdf: {  	[hbm4b:s14+s2] =	stream.linear.scatter [tilespmem:s7], [sflag:$0x3], $0x3800, $0x38;
	[tilespmem:$0x7680] =	vst v63  }
0xe0: {  	_ =	swait.ge [sflag:s5], $0x3800  }
0xe1: {  	[sflag:s5] =	ssyncset.done $0x0  }
0xe2: {  	[sflag:s5] =	ssyncadd.s32 $0xFFFFC800  }
0xe3: {  	[tilespmem:s7], [sflag:$0x1] =	stream.indirect.gather [hbm4b:s3+s8], $0x80, s17, s8, $0xb8;
	[tilespmem:$0x7680] =	vst v63  }
0xe4: {  	_ =	swait.ge [sflag:s6], $0x3800  }
0xe5: {  	[sflag:s6] =	ssyncset.done $0x0  }
0xe6: {  	s14 =	rddreg [dreg:$0xc];
	[sflag:s6] =	ssyncadd.s32 $0xFFFFC800  }
0xe7: {  	[hbm4b:s14+s2] =	stream.linear.scatter [tilespmem:s4], [sflag:$0x3], $0x3800, $0x38;
	[tilespmem:$0x7680] =	vst v63  }
0xe8: {  	_ =	swait.ge [sflag:s5], $0x3800  }
0xe9: {  	[sflag:s5] =	ssyncset.done $0x0  }
0xea: {  	[sflag:s5] =	ssyncadd.s32 $0xFFFFC800  }
0xeb: {  	[tilespmem:s4], [sflag:$0x2] =	stream.indirect.gather [hbm4b:s3+s8], $0x80, s15, s8, $0xb8;
	[tilespmem:$0x7680] =	vst v63  }
0xec: {  	_ =	swait.ge [sflag:s9], $0x3800  }
0xed: {  	[sflag:s9] =	ssyncset.done $0x0  }
0xee: {  	s14 =	rddreg [dreg:$0xd];
	[sflag:s9] =	ssyncadd.s32 $0xFFFFC800  }
0xef: {  	[hbm4b:s14+s2] =	stream.linear.scatter [tilespmem:s7], [sflag:$0x3], $0x3800, $0x38;
	[tilespmem:$0x7680] =	vst v63  }
0xf0: {  	_ =	swait.ge [sflag:s5], $0x3800  }
0xf1: {  	[sflag:s5] =	ssyncset.done $0x0  }
0xf2: {  	s14 =	simm.s32 $0x460;
	[sflag:s5] =	ssyncadd.s32 $0xFFFFC800  }
0xf3: {  	[tilespmem:s7], [sflag:$0x1] =	stream.indirect.gather [hbm4b:s3+s8], $0x80, s14, s8, $0xb8;
	[tilespmem:$0x7680] =	vst v63  }
0xf4: {  	_ =	swait.ge [sflag:s6], $0x3800  }
0xf5: {  	[sflag:s6] =	ssyncset.done $0x0  }
0xf6: {  	s14 =	rddreg [dreg:$0xe];
	[sflag:s6] =	ssyncadd.s32 $0xFFFFC800  }
0xf7: {  	[hbm4b:s14+s2] =	stream.linear.scatter [tilespmem:s4], [sflag:$0x3], $0x3800, $0x38;
	[tilespmem:$0x7680] =	vst v63  }
0xf8: {  	_ =	swait.ge [sflag:s5], $0x3800  }
0xf9: {  	[sflag:s5] =	ssyncset.done $0x0  }
0xfa: {  	s14 =	simm.s32 $0x4D0;
	[sflag:s5] =	ssyncadd.s32 $0xFFFFC800  }
0xfb: {  	[tilespmem:s4], [sflag:$0x2] =	stream.indirect.gather [hbm4b:s3+s8], $0x80, s14, s8, $0xb8;
	[tilespmem:$0x7680] =	vst v63  }
0xfc: {  	_ =	swait.ge [sflag:s9], $0x3800  }
0xfd: {  	[sflag:s9] =	ssyncset.done $0x0  }
0xfe: {  	s14 =	rddreg [dreg:$0xf];
	[sflag:s9] =	ssyncadd.s32 $0xFFFFC800  }
0xff: {  	[hbm4b:s14+s2] =	stream.linear.scatter [tilespmem:s7], [sflag:$0x3], $0x3800, $0x38;
	[tilespmem:$0x7680] =	vst v63  }
0x100: {  	_ =	swait.ge [sflag:s5], $0x3800  }
0x101: {  	[sflag:s5] =	ssyncset.done $0x0  }
0x102: {  	[sflag:s5] =	ssyncadd.s32 $0xFFFFC800  }
0x103: {  	[tilespmem:s19], [sflag:$0x1] =	stream.indirect.gather @p0 [hbm4b:s3+s20], $0x80, s21, s20, $0xb8;
	[tilespmem:$0x7680] =	vst v63  }
0x104: {  	_ = 	snop  }
0x105: {  	[tilespmem:s24], [sflag:$0x1] =	stream.indirect.gather @!p0 [hbm4b:s3+s22], $0x80, s23, s22, $0xb8;
	[tilespmem:$0x7680] =	vst v63  }
0x106: {  	_ =	swait.ge [sflag:s6], $0x3800  }
0x107: {  	[sflag:s6] =	ssyncset.done $0x0  }
0x108: {  	s14 =	rddreg [dreg:$0x10];
	[sflag:s6] =	ssyncadd.s32 $0xFFFFC800  }
0x109: {  	[hbm4b:s14+s2] =	stream.linear.scatter [tilespmem:s4], [sflag:$0x3], $0x3800, $0x38;
	[tilespmem:$0x7680] =	vst v63  }
0x10a: {  	_ =	swait.ge [sflag:s5], $0x3800  }
0x10b: {  	[sflag:s5] =	ssyncset.done $0x0  }
0x10c: {  	[sflag:s5] =	ssyncadd.s32 $0xFFFFC800  }
0x10d: {  	[tilespmem:s28], [sflag:$0x2] =	stream.indirect.gather @p0 [hbm4b:s3+s20], $0x80, s26, s20, $0xb8;
	[tilespmem:$0x7680] =	vst v63  }
0x10e: {  	_ =	swait.ge @p0 [sflag:s25], $0x3800  }
0x10f: {  	[sflag:s25] =	ssyncset.done @p0 $0x0  }
0x110: {  	s12 =	rddreg [dreg:$0x11];
	[sflag:s25] =	ssyncadd.s32 @p0 $0xFFFFC800  }
0x111: {  	[hbm4b:s12+s29] =	stream.linear.scatter @p0 [tilespmem:s19], [sflag:$0x3], $0x3800, $0x38;
	[tilespmem:$0x7680] =	vst v63  }
0x112: {  	_ =	swait.ge @p0 [sflag:s30], $0x3800  }
0x113: {  	[sflag:s30] =	ssyncset.done @p0 $0x0  }
0x114: {  	[sflag:s30] =	ssyncadd.s32 @p0 $0xFFFFC800  }
0x115: {  	_ =	swait.ge @p0 [sflag:s31], $0x3800  }
0x116: {  	[sflag:s31] =	ssyncset.done @p0 $0x0  }
0x117: {  	s12 =	rddreg [dreg:$0x12];
	[sflag:s31] =	ssyncadd.s32 @p0 $0xFFFFC800  }
0x118: {  	[hbm4b:s12+s29] =	stream.linear.scatter @p0 [tilespmem:s28], [sflag:$0x3], $0x3800, $0x38;
	[tilespmem:$0x7680] =	vst v63  }
0x119: {  	_ =	swait.ge @p0 [sflag:s30], $0x3800  }
0x11a: {  	[sflag:s30] =	ssyncset.done @p0 $0x0  }
0x11b: {  	s10 =	sadd.s32 $0xFFFFFFFF, s10;
	[sflag:s30] =	ssyncadd.s32 @p0 $0xFFFFC800  }
0x11c: {  	p3 =	sne.s32 s10, $0x0;
	_ =	swait.ge @!p0 [sflag:s1], $0x1800  }
.Ltmp2:
0x11d: {  	[sflag:s1] =	ssyncset.done @!p0 $0x0;
	(pc) =	sbr.rel @p3 .LBB2_4-.Ltmp2, $4  }
0x11e: {  	s12 =	rddreg [dreg:$0x13];
	[sflag:s1] =	ssyncadd.s32 @!p0 $0xFFFFE800  }
0x11f: {  	[hbm4b:s12+s11] =	stream.linear.scatter @!p0 [tilespmem:s24], [sflag:$0x3], $0x1800, $0x38;
	[tilespmem:$0x7680] =	vst v63  }
0x120: {  	_ =	swait.ge @!p0 [sflag:s0], $0x1800  }
0x121: {  	s12 =	rddreg [dreg:$0x4];
	[sflag:s0] =	ssyncset.done @!p0 $0x0  }
0x122: {  	s11 =	stileid.u32  }
0x123: {  	s15 =	rddreg [dreg:$0x2];
	s13 =	simm.s32 $0x4D0;
	s14 =	simm.s32 $0x460  }
0x124: {  	s19 =	simm.s32 $0x3F0;
	s17 =	simm.s32 $0x380;
	s20 =	simm.s32 $0x310  }
.LBB2_6:
0x125: {  	p2 =	por p0, !p2  }
0x126: {  	s1 =	simm.s32 @p1 $0x3;
	[sflag:s0] =	ssyncadd.s32 @!p2 $0xFFFFE800;
	s0 =	simm.s32 @p1 $0x0  }
0x127: {  	[tilespmem:s0], [sflag:$0x3] =	stream.linear.gather @p1 [hbm4b:s12+s0], $0x570, $0x38;
	[tilespmem:$0x7680] =	vst v63  }
0x128: {  	_ =	swait.ge @p1 [sflag:s1], $0x570  }
0x129: {  	s10 =	simm.s32 @!p1 $0x3;
	[sflag:s1] =	ssyncset.done @p1 $0x0  }
0x12a: {  	s0 =	rddreg [dreg:$0x3];
	[sflag:s1] =	ssyncadd.s32 @p1 $0xFFFFFA90;
	s1 =	simm.s32 @!p1 $0x0  }
0x12b: {  	[tilespmem:s1], [sflag:$0x3] =	stream.linear.gather @!p1 [hbm4b:s0+s1], $0x620, $0x38;
	[tilespmem:$0x7680] =	vst v63  }
0x12c: {  	_ =	swait.ge @!p1 [sflag:s10], $0x620  }
0x12d: {  	[sflag:s10] =	ssyncset.done @!p1 $0x0  }
0x12e: {  	[sflag:s10] =	ssyncadd.s32 @!p1 $0xFFFFF9E0  }
0x12f: {  	[tilespmem:s7], [sflag:$0x1] =	stream.indirect.gather [hbm4b:s3+s8], $0x80, s2, s8, $0xb8;
	[tilespmem:$0x7680] =	vst v63  }
0x130: {  	_ = 	snop  }
0x131: {  	[tilespmem:s4], [sflag:$0x2] =	stream.indirect.gather [hbm4b:s3+s8], $0x80, s8, s8, $0xb8;
	[tilespmem:$0x7680] =	vst v63  }
0x132: {  	_ =	swait.ge [sflag:s9], $0x3800  }
0x133: {  	[sflag:s9] =	ssyncset.done $0x0  }
0x134: {  	s30 =	rddreg [dreg:$0x5];
	[sflag:s9] =	ssyncadd.s32 $0xFFFFC800  }
0x135: {  	[hbm4b:s30+s2] =	stream.linear.scatter [tilespmem:s7], [sflag:$0x3], $0x3800, $0x38;
	[tilespmem:$0x7680] =	vst v63  }
0x136: {  	_ =	swait.ge [sflag:s5], $0x3800  }
0x137: {  	[sflag:s5] =	ssyncset.done $0x0  }
0x138: {  	s31 =	rddreg [dreg:$0x14];
	[sflag:s5] =	ssyncadd.s32 $0xFFFFC800  }
0x139: {  	[tilespmem:s7], [sflag:$0x1] =	stream.indirect.gather [hbm4b:s3+s8], $0x80, s31, s8, $0xb8;
	[tilespmem:$0x7680] =	vst v63  }
0x13a: {  	_ =	swait.ge [sflag:s6], $0x3800  }
0x13b: {  	[sflag:s6] =	ssyncset.done $0x0  }
0x13c: {  	s1 =	rddreg [dreg:$0x6];
	[sflag:s6] =	ssyncadd.s32 $0xFFFFC800  }
0x13d: {  	[hbm4b:s1+s2] =	stream.linear.scatter [tilespmem:s4], [sflag:$0x3], $0x3800, $0x38;
	[tilespmem:$0x7680] =	vst v63  }
0x13e: {  	_ =	swait.ge [sflag:s5], $0x3800  }
0x13f: {  	[sflag:s5] =	ssyncset.done $0x0  }
0x140: {  	s10 =	rddreg [dreg:$0x15];
	[sflag:s5] =	ssyncadd.s32 $0xFFFFC800  }
0x141: {  	[tilespmem:s4], [sflag:$0x2] =	stream.indirect.gather [hbm4b:s3+s8], $0x80, s10, s8, $0xb8;
	[tilespmem:$0x7680] =	vst v63  }
0x142: {  	_ =	swait.ge [sflag:s9], $0x3800  }
0x143: {  	[sflag:s9] =	ssyncset.done $0x0  }
0x144: {  	s12 =	rddreg [dreg:$0x7];
	[sflag:s9] =	ssyncadd.s32 $0xFFFFC800  }
0x145: {  	[hbm4b:s12+s2] =	stream.linear.scatter [tilespmem:s7], [sflag:$0x3], $0x3800, $0x38;
	[tilespmem:$0x7680] =	vst v63  }
0x146: {  	_ =	swait.ge [sflag:s5], $0x3800  }
0x147: {  	[sflag:s5] =	ssyncset.done $0x0  }
0x148: {  	s16 =	rddreg [dreg:$0x16];
	[sflag:s5] =	ssyncadd.s32 $0xFFFFC800  }
0x149: {  	[tilespmem:s7], [sflag:$0x1] =	stream.indirect.gather [hbm4b:s3+s8], $0x80, s16, s8, $0xb8;
	[tilespmem:$0x7680] =	vst v63  }
0x14a: {  	_ =	swait.ge [sflag:s6], $0x3800  }
0x14b: {  	[sflag:s6] =	ssyncset.done $0x0  }
0x14c: {  	s18 =	rddreg [dreg:$0x8];
	[sflag:s6] =	ssyncadd.s32 $0xFFFFC800  }
0x14d: {  	[hbm4b:s18+s2] =	stream.linear.scatter [tilespmem:s4], [sflag:$0x3], $0x3800, $0x38;
	[tilespmem:$0x7680] =	vst v63  }
0x14e: {  	_ =	swait.ge [sflag:s5], $0x3800  }
0x14f: {  	[sflag:s5] =	ssyncset.done $0x0  }
0x150: {  	s21 =	rddreg [dreg:$0x17];
	[sflag:s5] =	ssyncadd.s32 $0xFFFFC800  }
0x151: {  	[tilespmem:s4], [sflag:$0x2] =	stream.indirect.gather [hbm4b:s3+s8], $0x80, s21, s8, $0xb8;
	[tilespmem:$0x7680] =	vst v63  }
0x152: {  	_ =	swait.ge [sflag:s9], $0x3800  }
0x153: {  	[sflag:s9] =	ssyncset.done $0x0  }
0x154: {  	s22 =	rddreg [dreg:$0x9];
	[sflag:s9] =	ssyncadd.s32 $0xFFFFC800  }
0x155: {  	[hbm4b:s22+s2] =	stream.linear.scatter [tilespmem:s7], [sflag:$0x3], $0x3800, $0x38;
	[tilespmem:$0x7680] =	vst v63  }
0x156: {  	_ =	swait.ge [sflag:s5], $0x3800  }
0x157: {  	[sflag:s5] =	ssyncset.done $0x0  }
0x158: {  	s23 =	rddreg [dreg:$0x18];
	[sflag:s5] =	ssyncadd.s32 $0xFFFFC800  }
0x159: {  	[tilespmem:s7], [sflag:$0x1] =	stream.indirect.gather [hbm4b:s3+s8], $0x80, s23, s8, $0xb8;
	[tilespmem:$0x7680] =	vst v63  }
0x15a: {  	_ =	swait.ge [sflag:s6], $0x3800  }
0x15b: {  	[sflag:s6] =	ssyncset.done $0x0  }
0x15c: {  	s24 =	rddreg [dreg:$0xa];
	[sflag:s6] =	ssyncadd.s32 $0xFFFFC800  }
0x15d: {  	[hbm4b:s24+s2] =	stream.linear.scatter [tilespmem:s4], [sflag:$0x3], $0x3800, $0x38;
	[tilespmem:$0x7680] =	vst v63  }
0x15e: {  	_ =	swait.ge [sflag:s5], $0x3800  }
0x15f: {  	[sflag:s5] =	ssyncset.done $0x0  }
0x160: {  	[sflag:s5] =	ssyncadd.s32 $0xFFFFC800  }
0x161: {  	[tilespmem:s4], [sflag:$0x2] =	stream.indirect.gather [hbm4b:s3+s8], $0x80, s20, s8, $0xb8;
	[tilespmem:$0x7680] =	vst v63  }
0x162: {  	_ =	swait.ge [sflag:s9], $0x3800  }
0x163: {  	[sflag:s9] =	ssyncset.done $0x0  }
0x164: {  	s25 =	rddreg [dreg:$0xb];
	[sflag:s9] =	ssyncadd.s32 $0xFFFFC800  }
0x165: {  	[hbm4b:s25+s2] =	stream.linear.scatter [tilespmem:s7], [sflag:$0x3], $0x3800, $0x38;
	[tilespmem:$0x7680] =	vst v63  }
0x166: {  	_ =	swait.ge [sflag:s5], $0x3800  }
0x167: {  	[sflag:s5] =	ssyncset.done $0x0  }
0x168: {  	[sflag:s5] =	ssyncadd.s32 $0xFFFFC800  }
0x169: {  	[tilespmem:s7], [sflag:$0x1] =	stream.indirect.gather [hbm4b:s3+s8], $0x80, s17, s8, $0xb8;
	[tilespmem:$0x7680] =	vst v63  }
0x16a: {  	_ =	swait.ge [sflag:s6], $0x3800  }
0x16b: {  	[sflag:s6] =	ssyncset.done $0x0  }
0x16c: {  	s26 =	rddreg [dreg:$0xc];
	[sflag:s6] =	ssyncadd.s32 $0xFFFFC800  }
0x16d: {  	[hbm4b:s26+s2] =	stream.linear.scatter [tilespmem:s4], [sflag:$0x3], $0x3800, $0x38;
	[tilespmem:$0x7680] =	vst v63  }
0x16e: {  	_ =	swait.ge [sflag:s5], $0x3800  }
0x16f: {  	[sflag:s5] =	ssyncset.done $0x0  }
0x170: {  	[sflag:s5] =	ssyncadd.s32 $0xFFFFC800  }
0x171: {  	[tilespmem:s4], [sflag:$0x2] =	stream.indirect.gather [hbm4b:s3+s8], $0x80, s19, s8, $0xb8;
	[tilespmem:$0x7680] =	vst v63  }
0x172: {  	_ =	swait.ge [sflag:s9], $0x3800  }
0x173: {  	[sflag:s9] =	ssyncset.done $0x0  }
0x174: {  	s28 =	rddreg [dreg:$0xd];
	[sflag:s9] =	ssyncadd.s32 $0xFFFFC800  }
0x175: {  	[hbm4b:s28+s2] =	stream.linear.scatter [tilespmem:s7], [sflag:$0x3], $0x3800, $0x38;
	[tilespmem:$0x7680] =	vst v63  }
0x176: {  	_ =	swait.ge [sflag:s5], $0x3800  }
0x177: {  	[sflag:s5] =	ssyncset.done $0x0  }
0x178: {  	[sflag:s5] =	ssyncadd.s32 $0xFFFFC800  }
0x179: {  	[tilespmem:s7], [sflag:$0x1] =	stream.indirect.gather [hbm4b:s3+s8], $0x80, s14, s8, $0xb8;
	[tilespmem:$0x7680] =	vst v63  }
0x17a: {  	_ =	swait.ge [sflag:s6], $0x3800  }
0x17b: {  	[sflag:s6] =	ssyncset.done $0x0  }
0x17c: {  	s29 =	rddreg [dreg:$0xe];
	[sflag:s6] =	ssyncadd.s32 $0xFFFFC800  }
0x17d: {  	[hbm4b:s29+s2] =	stream.linear.scatter [tilespmem:s4], [sflag:$0x3], $0x3800, $0x38;
	[tilespmem:$0x7680] =	vst v63  }
0x17e: {  	_ =	swait.ge [sflag:s5], $0x3800  }
0x17f: {  	[sflag:s5] =	ssyncset.done $0x0  }
0x180: {  	[sflag:s5] =	ssyncadd.s32 $0xFFFFC800  }
0x181: {  	[tilespmem:s4], [sflag:$0x2] =	stream.indirect.gather [hbm4b:s3+s8], $0x80, s13, s8, $0xb8;
	[tilespmem:$0x7680] =	vst v63  }
0x182: {  	_ =	swait.ge [sflag:s9], $0x3800  }
0x183: {  	[sflag:s9] =	ssyncset.done $0x0  }
0x184: {  	s30 =	rddreg [dreg:$0xf];
	[sflag:s9] =	ssyncadd.s32 $0xFFFFC800  }
0x185: {  	[hbm4b:s30+s2] =	stream.linear.scatter [tilespmem:s7], [sflag:$0x3], $0x3800, $0x38;
	[tilespmem:$0x7680] =	vst v63  }
0x186: {  	_ =	swait.ge [sflag:s5], $0x3800  }
0x187: {  	s0 =	simm.s32 @p0 $0x680;
	[sflag:s5] =	ssyncset.done $0x0  }
0x188: {  	s1 =	simm.s32 @p0 $0x70;
	s7 =	simm.s32 @p0 $0x540;
	[sflag:s5] =	ssyncadd.s32 $0xFFFFC800  }
0x189: {  	[tilespmem:s0], [sflag:$0x1] =	stream.indirect.gather @p0 [hbm4b:s3+s1], $0x80, s7, s1, $0xb8;
	[tilespmem:$0x7680] =	vst v63  }
0x18a: {  	s8 =	simm.s32 @!p0 $0x540;
	s9 =	simm.s32 @!p0 $0x680;
	s7 =	simm.s32 @!p0 $0x30  }
0x18b: {  	[tilespmem:s9], [sflag:$0x1] =	stream.indirect.gather @!p0 [hbm4b:s3+s7], $0x80, s8, s7, $0xb8;
	[tilespmem:$0x7680] =	vst v63  }
0x18c: {  	_ =	swait.ge [sflag:s6], $0x3800  }
0x18d: {  	[sflag:s6] =	ssyncset.done $0x0  }
0x18e: {  	s31 =	rddreg [dreg:$0x10];
	[sflag:s6] =	ssyncadd.s32 $0xFFFFC800  }
0x18f: {  	[hbm4b:s31+s2] =	stream.linear.scatter [tilespmem:s4], [sflag:$0x3], $0x3800, $0x38;
	[tilespmem:$0x7680] =	vst v63  }
0x190: {  	_ =	swait.ge [sflag:s5], $0x3800  }
0x191: {  	s2 =	simm.s32 @p0 $0x1;
	[sflag:s5] =	ssyncset.done $0x0  }
0x192: {  	s4 =	simm.s32 @p0 $0x5B0;
	[sflag:s5] =	ssyncadd.s32 $0xFFFFC800;
	s5 =	simm.s32 @p0 $0x3E80  }
0x193: {  	[tilespmem:s5], [sflag:$0x2] =	stream.indirect.gather @p0 [hbm4b:s3+s1], $0x80, s4, s1, $0xb8;
	[tilespmem:$0x7680] =	vst v63  }
0x194: {  	_ =	swait.ge @p0 [sflag:s2], $0x3800  }
0x195: {  	s3 =	simm.s32 @p0 $0x3;
	[sflag:s2] =	ssyncset.done @p0 $0x0  }
0x196: {  	s1 =	rddreg [dreg:$0x11];
	[sflag:s2] =	ssyncadd.s32 @p0 $0xFFFFC800;
	s2 =	simm.s32 @p0 $0x0  }
0x197: {  	[hbm4b:s1+s2] =	stream.linear.scatter @p0 [tilespmem:s0], [sflag:$0x3], $0x3800, $0x38;
	[tilespmem:$0x7680] =	vst v63  }
0x198: {  	_ =	swait.ge @p0 [sflag:s3], $0x3800  }
0x199: {  	[sflag:s3] =	ssyncset.done @p0 $0x0  }
0x19a: {  	s0 =	simm.s32 @p0 $0x2;
	[sflag:s3] =	ssyncadd.s32 @p0 $0xFFFFC800  }
0x19b: {  	_ =	swait.ge @p0 [sflag:s0], $0x3800  }
0x19c: {  	[sflag:s0] =	ssyncset.done @p0 $0x0  }
0x19d: {  	s1 =	rddreg [dreg:$0x12];
	[sflag:s0] =	ssyncadd.s32 @p0 $0xFFFFC800  }
0x19e: {  	[hbm4b:s1+s2] =	stream.linear.scatter @p0 [tilespmem:s5], [sflag:$0x3], $0x3800, $0x38;
	[tilespmem:$0x7680] =	vst v63  }
0x19f: {  	_ =	swait.ge @p0 [sflag:s3], $0x3800  }
0x1a0: {  	[sflag:s3] =	ssyncset.done @p0 $0x0  }
0x1a1: {  	s0 =	simm.s32 @!p0 $0x1;
	[sflag:s3] =	ssyncadd.s32 @p0 $0xFFFFC800  }
0x1a2: {  	_ =	swait.ge @!p0 [sflag:s0], $0x1800  }
0x1a3: {  	s2 =	simm.s32 @!p0 $0x3;
	[sflag:s0] =	ssyncset.done @!p0 $0x0  }
0x1a4: {  	s1 =	rddreg [dreg:$0x13];
	[sflag:s0] =	ssyncadd.s32 @!p0 $0xFFFFE800;
	s0 =	simm.s32 @!p0 $0x0  }
0x1a5: {  	[hbm4b:s1+s0] =	stream.linear.scatter @!p0 [tilespmem:s9], [sflag:$0x3], $0x1800, $0x38;
	[tilespmem:$0x7680] =	vst v63  }
0x1a6: {  	_ =	swait.ge @!p0 [sflag:s2], $0x1800  }
0x1a7: {  	[sflag:s2] =	ssyncset.done @!p0 $0x0  }
0x1a8: {  	[sflag:s2] =	ssyncadd.s32 @!p0 $0xFFFFE800  }
0x1a9: {  	_ =	sfence.sel $0x180000  }
0x1aa: {  	[bflag:$0x0] =	sbarrier.arrive $0xFFFF  }
0x1ab: {  	p0 =	sne.s32 s11, $0x0;
	_ =	strace $0x90000047  }
0x1ac: {  	s0 =	sadd.s32 @!p0 $0x100000, s15;
	[bflag:$0x2] =	sbarrier.arrive $0xFFFF  }
0x1ad: {  	[sflag:s0] =	ssyncadd.tile.s32 @!p0 $0x1;
	_ =	shalt  }
.LBB2_1:
.Ltmp3:
0x1ae: {  	(pc) =	sbr.rel .LBB2_6-.Ltmp3, $2  }
0x1af: {  	_ =	sdelay $0x2  }
0x1b0: {  	_ = 	snop  }
.LBB2_3:
.Ltmp4:
0x1b1: {  	(pc) =	sbr.rel .LBB2_6-.Ltmp4, $4  }
0x1b2: {  	_ = 	snop  }
0x1b3: {  	s11 =	stileid.u32  }
0x1b4: {  	s15 =	rddreg [dreg:$0x2];
	s13 =	simm.s32 $0x4D0;
	s14 =	simm.s32 $0x460  }
0x1b5: {  	s19 =	simm.s32 $0x3F0;
	s17 =	simm.s32 $0x380;
	s20 =	simm.s32 $0x310  }
.Lfunc_end2:
_tile_overlayer_lowered:
.L_overlay_start_2:
0x1b6: {  	(tag) =	ssettag $0x2  }
0x1b7: {  	s0 =	rddreg [dreg:$0x0];
	s2 =	stileid.u32  }
0x1b8: {  	s1 =	rddreg [dreg:$0x1];
	p0 =	sne.s32 s2, $0x0  }
0x1b9: {  	s3 =	rddreg [dreg:$0x2];
	[bflag:$0x3] =	sbarrier.arrive $0xFFFF;
	s2 =	simm.s32 @!p0 $0x1C03  }
0x1ba: {  	[timem:s3], [sflag:s2] =	dma.local @!p0 [hbm:s0], s1  }
0x1bb: {  	s0 =	simm.s32 @!p0 $0x3  }
0x1bc: {  	_ =	swait.ge @!p0 [sflag:s0], s1  }
0x1bd: {  	s1 =	ssub.s32 @!p0 $0x0, s1;
	[sflag:s0] =	ssyncset.done @!p0 $0x0  }
0x1be: {  	[sflag:s0] =	ssyncadd.s32 @!p0 s1  }
0x1bf: {  	[bflag:$0x3] =	sbarrier.arrive $0xFFFF  }
0x1c0: {  	_ =	shalt  }

</sc_bundles>
